<compile_context>
chip_gen: v7x
topology: tpu7x:2x2x1
jax: 0.10.2.dev20260603
libtpu: 0.0.44.dev20260713+nightly
codegen_flags: <defaults>
</compile_context>

<pallas_src>
import jax
import jax.numpy as jnp
from jax import lax
from jax.experimental import pallas as pl
from jax.experimental.pallas import tpu as pltpu
from jax.experimental.pallas import tpu_sc as plsc

NC, NS = 2, 16
NW = NC * NS
C = 1600
G = 80
NG = C // G
LANES = 16
STEPS = C // LANES


def _body(xs_hbm, ys_hbm, zs_hbm, ii_hbm, jj_hbm, ox_hbm, oy_hbm, oz_hbm,
          out_hbm, xs_sh, ys_sh, zs_sh, *bufs):
  per_w = ii_hbm.shape[0] // NW
  n_chunks = per_w // C

  cid = lax.axis_index("c")
  sid = lax.axis_index("s")
  wid = sid * NC + cid

  (ii_a, jj_a, ox_a, oy_a, oz_a, xi_a, yi_a, zi_a, xj_a, yj_a, zj_a, out_a,
   lsem_a, gsem_a, osem_a,
   ii_b, jj_b, ox_b, oy_b, oz_b, xi_b, yi_b, zi_b, xj_b, yj_b, zj_b, out_b,
   lsem_b, gsem_b, osem_b) = bufs
  A = (ii_a, jj_a, (ox_a, oy_a, oz_a), (xi_a, yi_a, zi_a),
       (xj_a, yj_a, zj_a), out_a, lsem_a, gsem_a, osem_a)
  B = (ii_b, jj_b, (ox_b, oy_b, oz_b), (xi_b, yi_b, zi_b),
       (xj_b, yj_b, zj_b), out_b, lsem_b, gsem_b, osem_b)

  @pl.when(sid == 0)
  def _():
    pltpu.sync_copy(xs_hbm, xs_sh)
    pltpu.sync_copy(ys_hbm, ys_sh)
    pltpu.sync_copy(zs_hbm, zs_sh)
  plsc.subcore_barrier()

  tabs = (xs_sh, ys_sh, zs_sh)
  offs_hbm = (ox_hbm, oy_hbm, oz_hbm)

  def chunk_base(g):
    return wid * per_w + g * C

  def lin_start(g, S):
    ii_v, jj_v, ov, _, _, _, lsem, _, _ = S
    @pl.when(g < n_chunks)
    def _():
      base = chunk_base(g)
      sl = pl.ds(base, C)
      pltpu.async_copy(ii_hbm.at[sl], ii_v, lsem)
      pltpu.async_copy(jj_hbm.at[sl], jj_v, lsem)
      for t in range(3):
        pltpu.async_copy(offs_hbm[t].at[sl], ov[t], lsem)

  def lin_wait(S):
    ii_v, jj_v, ov, _, _, _, lsem, _, _ = S
    pltpu.make_async_copy(ii_hbm.at[pl.ds(0, C)], ii_v, lsem).wait()
    pltpu.make_async_copy(jj_hbm.at[pl.ds(0, C)], jj_v, lsem).wait()
    for t in range(3):
      pltpu.make_async_copy(ox_hbm.at[pl.ds(0, C)], ov[t], lsem).wait()

  def gather_fire(S):
    ii_v, jj_v, _, ri, rj, _, _, gsem, _ = S
    def fire(k, c2):
      sl = pl.ds(k * G, G)
      for t in range(3):
        pltpu.async_copy(tabs[t].at[ii_v.at[sl]], ri[t].at[sl], gsem)
        pltpu.async_copy(tabs[t].at[jj_v.at[sl]], rj[t].at[sl], gsem)
      return c2
    lax.fori_loop(0, NG, fire, 0)

  def gather_drain(S):
    _, _, _, ri, rj, _, _, gsem, _ = S
    for buf in (*ri, *rj):
      pltpu.make_async_copy(xs_hbm.at[pl.ds(0, C)], buf, gsem).wait()

  def out_wait(S):
    out_v, osem = S[5], S[8]
    pltpu.make_async_copy(out_hbm.at[pl.ds(0, C)], out_v, osem).wait()

  def compute_store(g, S):
    _, _, (ox_v, oy_v, oz_v), (xi_v, yi_v, zi_v), (xj_v, yj_v, zj_v), \
        out_v, _, _, osem = S
    def step(s, c2):
      sl = pl.ds(s * LANES, LANES)
      dx = xi_v[sl] - xj_v[sl] - ox_v[sl]
      dy = yi_v[sl] - yj_v[sl] - oy_v[sl]
      dz = zi_v[sl] - zj_v[sl] - oz_v[sl]
      d2 = jnp.maximum(dx * dx + dy * dy + dz * dz, 0.0)
      seed = plsc.bitcast(0x5F3759DF - (plsc.bitcast(d2, jnp.int32) >> 1),
                          jnp.float32)
      h = 0.5 * d2
      r = seed * (1.5 - h * seed * seed)
      r = r * (1.5 - h * r * r)
      out_v[sl] = d2 * r
      return c2
    lax.fori_loop(0, STEPS, step, 0)
    pltpu.async_copy(out_v, out_hbm.at[pl.ds(chunk_base(g), C)], osem)

  pltpu.async_copy(out_hbm.at[pl.ds(0, C)], A[5], A[8])
  pltpu.async_copy(out_hbm.at[pl.ds(0, C)], B[5], B[8])

  lin_start(0, A)
  lin_wait(A)
  gather_fire(A)
  lin_start(1, B)

  def pair(t, carry):
    g = 2 * t
    gather_drain(A)
    lin_wait(B)
    gather_fire(B)
    out_wait(A)
    compute_store(g, A)
    lin_start(g + 2, A)
    gather_drain(B)
    @pl.when(g + 2 < n_chunks)
    def _():
      lin_wait(A)
      gather_fire(A)
    out_wait(B)
    compute_store(g + 1, B)
    lin_start(g + 3, B)
    return carry

  lax.fori_loop(0, n_chunks // 2, pair, 0)

  if n_chunks % 2:
    gather_drain(A)
    out_wait(A)
    compute_store(n_chunks - 1, A)
  out_wait(A)
  out_wait(B)


def kernel(Ra, idx_i, idx_j, offsets):
  n = Ra.shape[0]
  e = idx_i.shape[0]
  xs = Ra[:, 0]
  ys = Ra[:, 1]
  zs = Ra[:, 2]

  ox = offsets[:, 0]
  oy = offsets[:, 1]
  oz = offsets[:, 2]

  mesh = plsc.VectorSubcoreMesh(core_axis_name="c", subcore_axis_name="s")
  buf_set = [
      pltpu.VMEM((C,), jnp.int32),
      pltpu.VMEM((C,), jnp.int32),
      pltpu.VMEM((C,), jnp.float32),
      pltpu.VMEM((C,), jnp.float32),
      pltpu.VMEM((C,), jnp.float32),
      pltpu.VMEM((C,), jnp.float32),
      pltpu.VMEM((C,), jnp.float32),
      pltpu.VMEM((C,), jnp.float32),
      pltpu.VMEM((C,), jnp.float32),
      pltpu.VMEM((C,), jnp.float32),
      pltpu.VMEM((C,), jnp.float32),
      pltpu.VMEM((C,), jnp.float32),
      pltpu.SemaphoreType.DMA,
      pltpu.SemaphoreType.DMA,
      pltpu.SemaphoreType.DMA,
  ]
  run = pl.kernel(
      _body,
      out_type=jax.ShapeDtypeStruct((e,), jnp.float32),
      mesh=mesh,
      compiler_params=pltpu.CompilerParams(needs_layout_passes=False,
                                           use_tc_tiling_on_sc=False),
      scratch_types=[
          pltpu.VMEM_SHARED((n,), jnp.float32),
          pltpu.VMEM_SHARED((n,), jnp.float32),
          pltpu.VMEM_SHARED((n,), jnp.float32),
          *buf_set,
          *buf_set,
      ],
  )
  return run(xs, ys, zs, idx_i.astype(jnp.int32), idx_j.astype(jnp.int32),
             ox, oy, oz)

# --- scband reference (transcript-rebuilt; emitter-appended) ---
"""Pipeline reference for scband-distance-layer-90056874262855 (READ-ONLY COPY).

The authoritative reference and input builder live on the scoring server;
editing this copy changes nothing except your own understanding.
"""

import jax, jax.numpy as jnp
import numpy as np

N_NODES = 100000
N_EDGES = 6400000

def setup_inputs(seed: int = 0) -> dict:
    key = jax.random.key(seed)
    k1, k2, k3, k4 = jax.random.split(key, 4)
    Ra = jax.random.normal(k1, (N_NODES, 3), dtype=jnp.float32)
    idx_i = jax.random.randint(k2, (N_EDGES,), 0, N_NODES, dtype=jnp.int64 if jax.config.read('jax_enable_x64') else jnp.int32)
    idx_j = jax.random.randint(k3, (N_EDGES,), 0, N_NODES, dtype=jnp.int64 if jax.config.read('jax_enable_x64') else jnp.int32)
    offsets = jax.random.normal(k4, (N_EDGES, 3), dtype=jnp.float32)
    return {"Ra": Ra, "idx_i": idx_i, "idx_j": idx_j, "offsets": offsets}

def reference(Ra, idx_i, idx_j, offsets):
    # Ri = Ra.gather(0, idx_i.view(-1,1).expand(-1,3))  -> row gather
    Ri = jnp.take(Ra, idx_i, axis=0)
    Rj = jnp.take(Ra, idx_j, axis=0)
    Rj = Rj + offsets
    Dij = jnp.sqrt(jax.nn.relu(jnp.sum((Ri - Rj) ** 2, axis=-1)))
    return Dij

if __name__ == "__main__":
    import jax
    _d = setup_inputs()
    print(jax.jit(kernel)(*tuple(_d.values())))

</pallas_src>

<mosaic_0001>
#map = affine_map<(d0, d1) -> (0)>
module attributes {stable_mosaic.version = 14 : i64} {
  func.func @_body(%arg0: i32, %arg1: i32, %arg2: memref<100000xf32, #tpu.memory_space<hbm>>, %arg3: memref<100000xf32, #tpu.memory_space<hbm>>, %arg4: memref<100000xf32, #tpu.memory_space<hbm>>, %arg5: memref<6400000xi32, #tpu.memory_space<hbm>>, %arg6: memref<6400000xi32, #tpu.memory_space<hbm>>, %arg7: memref<6400000xf32, #tpu.memory_space<hbm>>, %arg8: memref<6400000xf32, #tpu.memory_space<hbm>>, %arg9: memref<6400000xf32, #tpu.memory_space<hbm>>, %arg10: memref<6400000xf32, #tpu.memory_space<hbm>>, %arg11: memref<100000xf32, #tpu.memory_space<vmem_shared>>, %arg12: memref<100000xf32, #tpu.memory_space<vmem_shared>>, %arg13: memref<100000xf32, #tpu.memory_space<vmem_shared>>, %arg14: memref<1600xi32, #tpu.memory_space<vmem>>, %arg15: memref<1600xi32, #tpu.memory_space<vmem>>, %arg16: memref<1600xf32, #tpu.memory_space<vmem>>, %arg17: memref<1600xf32, #tpu.memory_space<vmem>>, %arg18: memref<1600xf32, #tpu.memory_space<vmem>>, %arg19: memref<1600xf32, #tpu.memory_space<vmem>>, %arg20: memref<1600xf32, #tpu.memory_space<vmem>>, %arg21: memref<1600xf32, #tpu.memory_space<vmem>>, %arg22: memref<1600xf32, #tpu.memory_space<vmem>>, %arg23: memref<1600xf32, #tpu.memory_space<vmem>>, %arg24: memref<1600xf32, #tpu.memory_space<vmem>>, %arg25: memref<1600xf32, #tpu.memory_space<vmem>>, %arg26: memref<!tpu.dma_semaphore, #tpu.memory_space<semaphore_mem>>, %arg27: memref<!tpu.dma_semaphore, #tpu.memory_space<semaphore_mem>>, %arg28: memref<!tpu.dma_semaphore, #tpu.memory_space<semaphore_mem>>, %arg29: memref<1600xi32, #tpu.memory_space<vmem>>, %arg30: memref<1600xi32, #tpu.memory_space<vmem>>, %arg31: memref<1600xf32, #tpu.memory_space<vmem>>, %arg32: memref<1600xf32, #tpu.memory_space<vmem>>, %arg33: memref<1600xf32, #tpu.memory_space<vmem>>, %arg34: memref<1600xf32, #tpu.memory_space<vmem>>, %arg35: memref<1600xf32, #tpu.memory_space<vmem>>, %arg36: memref<1600xf32, #tpu.memory_space<vmem>>, %arg37: memref<1600xf32, #tpu.memory_space<vmem>>, %arg38: memref<1600xf32, #tpu.memory_space<vmem>>, %arg39: memref<1600xf32, #tpu.memory_space<vmem>>, %arg40: memref<1600xf32, #tpu.memory_space<vmem>>, %arg41: memref<!tpu.dma_semaphore, #tpu.memory_space<semaphore_mem>>, %arg42: memref<!tpu.dma_semaphore, #tpu.memory_space<semaphore_mem>>, %arg43: memref<!tpu.dma_semaphore, #tpu.memory_space<semaphore_mem>>) attributes {dimension_semantics = [#tpu.dimension_semantics<core_parallel>, #tpu.dimension_semantics<subcore_parallel>], iteration_bounds = array<i64: 2, 16>, scalar_prefetch = 0 : i64, scratch_operands = 33 : i64, tpu.core_type = #tpu.core_type<sc_vector_subcore>, window_params = [{transform_indices = #map}, {transform_indices = #map}, {transform_indices = #map}, {transform_indices = #map}, {transform_indices = #map}, {transform_indices = #map}, {transform_indices = #map}, {transform_indices = #map}, {transform_indices = #map}]} {
    %mul3A = arith.constant 2 : i32
    %mul3A_0 = arith.muli %arg1, %mul3A : i32
    %add3A = arith.addi %mul3A_0, %arg0 : i32
    %eq3A = arith.constant 0 : i32
    %eq3A_1 = arith.cmpi eq, %arg1, %eq3A : i32
    %convert_element_type3A = arith.extui %eq3A_1 : i1 to i32
    %cond3A = arith.constant 0 : i32
    %cond3A_2 = arith.cmpi ne, %convert_element_type3A, %cond3A : i32
    scf.if %cond3A_2 {
      "tpu.region"() ({
        %run_scoped3A = tpu.sem_alloc : memref<!tpu.dma_semaphore, #tpu.memory_space<semaphore_mem>>
        tpu.enqueue_dma source(%arg2 : memref<100000xf32, #tpu.memory_space<hbm>>) target(%arg11 : memref<100000xf32, #tpu.memory_space<vmem_shared>>) target_semaphore(%run_scoped3A : memref<!tpu.dma_semaphore, #tpu.memory_space<semaphore_mem>>)
        tpu.wait_dma2 semaphore(%run_scoped3A : memref<!tpu.dma_semaphore, #tpu.memory_space<semaphore_mem>>) src(%arg2 : memref<100000xf32, #tpu.memory_space<hbm>>) dst(%arg11 : memref<100000xf32, #tpu.memory_space<vmem_shared>>)
        tpu.yield
      }) : () -> ()
      "tpu.region"() ({
        %run_scoped3A = tpu.sem_alloc : memref<!tpu.dma_semaphore, #tpu.memory_space<semaphore_mem>>
        tpu.enqueue_dma source(%arg3 : memref<100000xf32, #tpu.memory_space<hbm>>) target(%arg12 : memref<100000xf32, #tpu.memory_space<vmem_shared>>) target_semaphore(%run_scoped3A : memref<!tpu.dma_semaphore, #tpu.memory_space<semaphore_mem>>)
        tpu.wait_dma2 semaphore(%run_scoped3A : memref<!tpu.dma_semaphore, #tpu.memory_space<semaphore_mem>>) src(%arg3 : memref<100000xf32, #tpu.memory_space<hbm>>) dst(%arg12 : memref<100000xf32, #tpu.memory_space<vmem_shared>>)
        tpu.yield
      }) : () -> ()
      "tpu.region"() ({
        %run_scoped3A = tpu.sem_alloc : memref<!tpu.dma_semaphore, #tpu.memory_space<semaphore_mem>>
        tpu.enqueue_dma source(%arg4 : memref<100000xf32, #tpu.memory_space<hbm>>) target(%arg13 : memref<100000xf32, #tpu.memory_space<vmem_shared>>) target_semaphore(%run_scoped3A : memref<!tpu.dma_semaphore, #tpu.memory_space<semaphore_mem>>)
        tpu.wait_dma2 semaphore(%run_scoped3A : memref<!tpu.dma_semaphore, #tpu.memory_space<semaphore_mem>>) src(%arg4 : memref<100000xf32, #tpu.memory_space<hbm>>) dst(%arg13 : memref<100000xf32, #tpu.memory_space<vmem_shared>>)
        tpu.yield
      }) : () -> ()
    } else {
    }
    %barrier3A = arith.constant 0 : index
    tpu.barrier barrier_id(%barrier3A)
    %dma_start3A = arith.constant 0 : i32
    %dma_start3A_3 = tpu.memref_slice %arg10[%dma_start3A] : memref<6400000xf32, #tpu.memory_space<hbm>> -> memref<1600xf32, #tpu.memory_space<hbm>>
    %dma_start3A_4 = arith.constant 0 : i32
    %dma_start3A_5 = tpu.memref_slice %arg10[%dma_start3A_4] : memref<6400000xf32, #tpu.memory_space<hbm>> -> memref<1600xf32, #tpu.memory_space<hbm>>
    tpu.enqueue_dma source(%dma_start3A_5 : memref<1600xf32, #tpu.memory_space<hbm>>) target(%arg25 : memref<1600xf32, #tpu.memory_space<vmem>>) target_semaphore(%arg28 : memref<!tpu.dma_semaphore, #tpu.memory_space<semaphore_mem>>)
    %dma_start3A_6 = arith.constant 0 : i32
    %dma_start3A_7 = tpu.memref_slice %arg10[%dma_start3A_6] : memref<6400000xf32, #tpu.memory_space<hbm>> -> memref<1600xf32, #tpu.memory_space<hbm>>
    %dma_start3A_8 = arith.constant 0 : i32
    %dma_start3A_9 = tpu.memref_slice %arg10[%dma_start3A_8] : memref<6400000xf32, #tpu.memory_space<hbm>> -> memref<1600xf32, #tpu.memory_space<hbm>>
    tpu.enqueue_dma source(%dma_start3A_9 : memref<1600xf32, #tpu.memory_space<hbm>>) target(%arg40 : memref<1600xf32, #tpu.memory_space<vmem>>) target_semaphore(%arg43 : memref<!tpu.dma_semaphore, #tpu.memory_space<semaphore_mem>>)
    %mul3A_10 = arith.constant 200000 : i32
    %mul3A_11 = arith.muli %add3A, %mul3A_10 : i32
    %add3A_12 = arith.constant 0 : i32
    %add3A_13 = arith.addi %mul3A_11, %add3A_12 : i32
    %dma_start3A_14 = tpu.memref_slice %arg5[%add3A_13] : memref<6400000xi32, #tpu.memory_space<hbm>> -> memref<1600xi32, #tpu.memory_space<hbm>>
    %dma_start3A_15 = tpu.memref_slice %arg5[%add3A_13] : memref<6400000xi32, #tpu.memory_space<hbm>> -> memref<1600xi32, #tpu.memory_space<hbm>>
    tpu.enqueue_dma source(%dma_start3A_15 : memref<1600xi32, #tpu.memory_space<hbm>>) target(%arg14 : memref<1600xi32, #tpu.memory_space<vmem>>) target_semaphore(%arg26 : memref<!tpu.dma_semaphore, #tpu.memory_space<semaphore_mem>>)
    %dma_start3A_16 = tpu.memref_slice %arg6[%add3A_13] : memref<6400000xi32, #tpu.memory_space<hbm>> -> memref<1600xi32, #tpu.memory_space<hbm>>
    %dma_start3A_17 = tpu.memref_slice %arg6[%add3A_13] : memref<6400000xi32, #tpu.memory_space<hbm>> -> memref<1600xi32, #tpu.memory_space<hbm>>
    tpu.enqueue_dma source(%dma_start3A_17 : memref<1600xi32, #tpu.memory_space<hbm>>) target(%arg15 : memref<1600xi32, #tpu.memory_space<vmem>>) target_semaphore(%arg26 : memref<!tpu.dma_semaphore, #tpu.memory_space<semaphore_mem>>)
    %dma_start3A_18 = tpu.memref_slice %arg7[%add3A_13] : memref<6400000xf32, #tpu.memory_space<hbm>> -> memref<1600xf32, #tpu.memory_space<hbm>>
    %dma_start3A_19 = tpu.memref_slice %arg7[%add3A_13] : memref<6400000xf32, #tpu.memory_space<hbm>> -> memref<1600xf32, #tpu.memory_space<hbm>>
    tpu.enqueue_dma source(%dma_start3A_19 : memref<1600xf32, #tpu.memory_space<hbm>>) target(%arg16 : memref<1600xf32, #tpu.memory_space<vmem>>) target_semaphore(%arg26 : memref<!tpu.dma_semaphore, #tpu.memory_space<semaphore_mem>>)
    %dma_start3A_20 = tpu.memref_slice %arg8[%add3A_13] : memref<6400000xf32, #tpu.memory_space<hbm>> -> memref<1600xf32, #tpu.memory_space<hbm>>
    %dma_start3A_21 = tpu.memref_slice %arg8[%add3A_13] : memref<6400000xf32, #tpu.memory_space<hbm>> -> memref<1600xf32, #tpu.memory_space<hbm>>
    tpu.enqueue_dma source(%dma_start3A_21 : memref<1600xf32, #tpu.memory_space<hbm>>) target(%arg17 : memref<1600xf32, #tpu.memory_space<vmem>>) target_semaphore(%arg26 : memref<!tpu.dma_semaphore, #tpu.memory_space<semaphore_mem>>)
    %dma_start3A_22 = tpu.memref_slice %arg9[%add3A_13] : memref<6400000xf32, #tpu.memory_space<hbm>> -> memref<1600xf32, #tpu.memory_space<hbm>>
    %dma_start3A_23 = tpu.memref_slice %arg9[%add3A_13] : memref<6400000xf32, #tpu.memory_space<hbm>> -> memref<1600xf32, #tpu.memory_space<hbm>>
    tpu.enqueue_dma source(%dma_start3A_23 : memref<1600xf32, #tpu.memory_space<hbm>>) target(%arg18 : memref<1600xf32, #tpu.memory_space<vmem>>) target_semaphore(%arg26 : memref<!tpu.dma_semaphore, #tpu.memory_space<semaphore_mem>>)
    %dma_wait3A = arith.constant 0 : i32
    %dma_wait3A_24 = tpu.memref_slice %arg5[%dma_wait3A] : memref<6400000xi32, #tpu.memory_space<hbm>> -> memref<1600xi32, #tpu.memory_space<hbm>>
    %dma_wait3A_25 = arith.constant 0 : i32
    %dma_wait3A_26 = tpu.memref_slice %arg5[%dma_wait3A_25] : memref<6400000xi32, #tpu.memory_space<hbm>> -> memref<1600xi32, #tpu.memory_space<hbm>>
    tpu.wait_dma2 semaphore(%arg26 : memref<!tpu.dma_semaphore, #tpu.memory_space<semaphore_mem>>) src(%dma_wait3A_26 : memref<1600xi32, #tpu.memory_space<hbm>>) dst(%arg14 : memref<1600xi32, #tpu.memory_space<vmem>>)
    %dma_wait3A_27 = arith.constant 0 : i32
    %dma_wait3A_28 = tpu.memref_slice %arg6[%dma_wait3A_27] : memref<6400000xi32, #tpu.memory_space<hbm>> -> memref<1600xi32, #tpu.memory_space<hbm>>
    %dma_wait3A_29 = arith.constant 0 : i32
    %dma_wait3A_30 = tpu.memref_slice %arg6[%dma_wait3A_29] : memref<6400000xi32, #tpu.memory_space<hbm>> -> memref<1600xi32, #tpu.memory_space<hbm>>
    tpu.wait_dma2 semaphore(%arg26 : memref<!tpu.dma_semaphore, #tpu.memory_space<semaphore_mem>>) src(%dma_wait3A_30 : memref<1600xi32, #tpu.memory_space<hbm>>) dst(%arg15 : memref<1600xi32, #tpu.memory_space<vmem>>)
    %dma_wait3A_31 = arith.constant 0 : i32
    %dma_wait3A_32 = tpu.memref_slice %arg7[%dma_wait3A_31] : memref<6400000xf32, #tpu.memory_space<hbm>> -> memref<1600xf32, #tpu.memory_space<hbm>>
    %dma_wait3A_33 = arith.constant 0 : i32
    %dma_wait3A_34 = tpu.memref_slice %arg7[%dma_wait3A_33] : memref<6400000xf32, #tpu.memory_space<hbm>> -> memref<1600xf32, #tpu.memory_space<hbm>>
    tpu.wait_dma2 semaphore(%arg26 : memref<!tpu.dma_semaphore, #tpu.memory_space<semaphore_mem>>) src(%dma_wait3A_34 : memref<1600xf32, #tpu.memory_space<hbm>>) dst(%arg16 : memref<1600xf32, #tpu.memory_space<vmem>>)
    %dma_wait3A_35 = arith.constant 0 : i32
    %dma_wait3A_36 = tpu.memref_slice %arg7[%dma_wait3A_35] : memref<6400000xf32, #tpu.memory_space<hbm>> -> memref<1600xf32, #tpu.memory_space<hbm>>
    %dma_wait3A_37 = arith.constant 0 : i32
    %dma_wait3A_38 = tpu.memref_slice %arg7[%dma_wait3A_37] : memref<6400000xf32, #tpu.memory_space<hbm>> -> memref<1600xf32, #tpu.memory_space<hbm>>
    tpu.wait_dma2 semaphore(%arg26 : memref<!tpu.dma_semaphore, #tpu.memory_space<semaphore_mem>>) src(%dma_wait3A_38 : memref<1600xf32, #tpu.memory_space<hbm>>) dst(%arg17 : memref<1600xf32, #tpu.memory_space<vmem>>)
    %dma_wait3A_39 = arith.constant 0 : i32
    %dma_wait3A_40 = tpu.memref_slice %arg7[%dma_wait3A_39] : memref<6400000xf32, #tpu.memory_space<hbm>> -> memref<1600xf32, #tpu.memory_space<hbm>>
    %dma_wait3A_41 = arith.constant 0 : i32
    %dma_wait3A_42 = tpu.memref_slice %arg7[%dma_wait3A_41] : memref<6400000xf32, #tpu.memory_space<hbm>> -> memref<1600xf32, #tpu.memory_space<hbm>>
    tpu.wait_dma2 semaphore(%arg26 : memref<!tpu.dma_semaphore, #tpu.memory_space<semaphore_mem>>) src(%dma_wait3A_42 : memref<1600xf32, #tpu.memory_space<hbm>>) dst(%arg18 : memref<1600xf32, #tpu.memory_space<vmem>>)
    %scan3A = arith.constant 0 : i32
    %scan3A_43 = arith.constant 0 : i32
    %scan3A_44 = arith.constant 20 : i32
    %scan3A_45 = arith.addi %scan3A_43, %scan3A_44 : i32
    %scan3A_46 = arith.constant 1 : i32
    scf.for %scan3A_116 = %scan3A_43 to %scan3A_45 step %scan3A_46  : i32 {
      %mul3A_117 = arith.constant 80 : i32
      %mul3A_118 = arith.muli %scan3A_116, %mul3A_117 : i32
      %dma_start3A_119 = tpu.memref_slice %arg19[%mul3A_118] : memref<1600xf32, #tpu.memory_space<vmem>> -> memref<80xf32, #tpu.memory_space<vmem>>
      %dma_start3A_120 = tpu.memref_slice %arg14[%mul3A_118] : memref<1600xi32, #tpu.memory_space<vmem>> -> memref<80xi32, #tpu.memory_space<vmem>>
      %dma_start3A_121 = arith.constant 0 : i32
      %dma_start3A_122 = tpu.memref_slice %arg11[%dma_start3A_121] : memref<100000xf32, #tpu.memory_space<vmem_shared>> -> memref<100000xf32, #tpu.memory_space<vmem_shared>>
      tpu.enqueue_indirect_dma source(%dma_start3A_122 : memref<100000xf32, #tpu.memory_space<vmem_shared>>) target(%dma_start3A_119 : memref<80xf32, #tpu.memory_space<vmem>>) offsets(%dma_start3A_120 : memref<80xi32, #tpu.memory_space<vmem>>) semaphore(%arg27 : memref<!tpu.dma_semaphore, #tpu.memory_space<semaphore_mem>>)
      %dma_start3A_123 = tpu.memref_slice %arg22[%mul3A_118] : memref<1600xf32, #tpu.memory_space<vmem>> -> memref<80xf32, #tpu.memory_space<vmem>>
      %dma_start3A_124 = tpu.memref_slice %arg15[%mul3A_118] : memref<1600xi32, #tpu.memory_space<vmem>> -> memref<80xi32, #tpu.memory_space<vmem>>
      %dma_start3A_125 = arith.constant 0 : i32
      %dma_start3A_126 = tpu.memref_slice %arg11[%dma_start3A_125] : memref<100000xf32, #tpu.memory_space<vmem_shared>> -> memref<100000xf32, #tpu.memory_space<vmem_shared>>
      tpu.enqueue_indirect_dma source(%dma_start3A_126 : memref<100000xf32, #tpu.memory_space<vmem_shared>>) target(%dma_start3A_123 : memref<80xf32, #tpu.memory_space<vmem>>) offsets(%dma_start3A_124 : memref<80xi32, #tpu.memory_space<vmem>>) semaphore(%arg27 : memref<!tpu.dma_semaphore, #tpu.memory_space<semaphore_mem>>)
      %dma_start3A_127 = tpu.memref_slice %arg20[%mul3A_118] : memref<1600xf32, #tpu.memory_space<vmem>> -> memref<80xf32, #tpu.memory_space<vmem>>
      %dma_start3A_128 = tpu.memref_slice %arg14[%mul3A_118] : memref<1600xi32, #tpu.memory_space<vmem>> -> memref<80xi32, #tpu.memory_space<vmem>>
      %dma_start3A_129 = arith.constant 0 : i32
      %dma_start3A_130 = tpu.memref_slice %arg12[%dma_start3A_129] : memref<100000xf32, #tpu.memory_space<vmem_shared>> -> memref<100000xf32, #tpu.memory_space<vmem_shared>>
      tpu.enqueue_indirect_dma source(%dma_start3A_130 : memref<100000xf32, #tpu.memory_space<vmem_shared>>) target(%dma_start3A_127 : memref<80xf32, #tpu.memory_space<vmem>>) offsets(%dma_start3A_128 : memref<80xi32, #tpu.memory_space<vmem>>) semaphore(%arg27 : memref<!tpu.dma_semaphore, #tpu.memory_space<semaphore_mem>>)
      %dma_start3A_131 = tpu.memref_slice %arg23[%mul3A_118] : memref<1600xf32, #tpu.memory_space<vmem>> -> memref<80xf32, #tpu.memory_space<vmem>>
      %dma_start3A_132 = tpu.memref_slice %arg15[%mul3A_118] : memref<1600xi32, #tpu.memory_space<vmem>> -> memref<80xi32, #tpu.memory_space<vmem>>
      %dma_start3A_133 = arith.constant 0 : i32
      %dma_start3A_134 = tpu.memref_slice %arg12[%dma_start3A_133] : memref<100000xf32, #tpu.memory_space<vmem_shared>> -> memref<100000xf32, #tpu.memory_space<vmem_shared>>
      tpu.enqueue_indirect_dma source(%dma_start3A_134 : memref<100000xf32, #tpu.memory_space<vmem_shared>>) target(%dma_start3A_131 : memref<80xf32, #tpu.memory_space<vmem>>) offsets(%dma_start3A_132 : memref<80xi32, #tpu.memory_space<vmem>>) semaphore(%arg27 : memref<!tpu.dma_semaphore, #tpu.memory_space<semaphore_mem>>)
      %dma_start3A_135 = tpu.memref_slice %arg21[%mul3A_118] : memref<1600xf32, #tpu.memory_space<vmem>> -> memref<80xf32, #tpu.memory_space<vmem>>
      %dma_start3A_136 = tpu.memref_slice %arg14[%mul3A_118] : memref<1600xi32, #tpu.memory_space<vmem>> -> memref<80xi32, #tpu.memory_space<vmem>>
      %dma_start3A_137 = arith.constant 0 : i32
      %dma_start3A_138 = tpu.memref_slice %arg13[%dma_start3A_137] : memref<100000xf32, #tpu.memory_space<vmem_shared>> -> memref<100000xf32, #tpu.memory_space<vmem_shared>>
      tpu.enqueue_indirect_dma source(%dma_start3A_138 : memref<100000xf32, #tpu.memory_space<vmem_shared>>) target(%dma_start3A_135 : memref<80xf32, #tpu.memory_space<vmem>>) offsets(%dma_start3A_136 : memref<80xi32, #tpu.memory_space<vmem>>) semaphore(%arg27 : memref<!tpu.dma_semaphore, #tpu.memory_space<semaphore_mem>>)
      %dma_start3A_139 = tpu.memref_slice %arg24[%mul3A_118] : memref<1600xf32, #tpu.memory_space<vmem>> -> memref<80xf32, #tpu.memory_space<vmem>>
      %dma_start3A_140 = tpu.memref_slice %arg15[%mul3A_118] : memref<1600xi32, #tpu.memory_space<vmem>> -> memref<80xi32, #tpu.memory_space<vmem>>
      %dma_start3A_141 = arith.constant 0 : i32
      %dma_start3A_142 = tpu.memref_slice %arg13[%dma_start3A_141] : memref<100000xf32, #tpu.memory_space<vmem_shared>> -> memref<100000xf32, #tpu.memory_space<vmem_shared>>
      tpu.enqueue_indirect_dma source(%dma_start3A_142 : memref<100000xf32, #tpu.memory_space<vmem_shared>>) target(%dma_start3A_139 : memref<80xf32, #tpu.memory_space<vmem>>) offsets(%dma_start3A_140 : memref<80xi32, #tpu.memory_space<vmem>>) semaphore(%arg27 : memref<!tpu.dma_semaphore, #tpu.memory_space<semaphore_mem>>)
    }
    %scan3A_47 = arith.constant 20 : i32
    %mul3A_48 = arith.constant 200000 : i32
    %mul3A_49 = arith.muli %add3A, %mul3A_48 : i32
    %add3A_50 = arith.constant 1600 : i32
    %add3A_51 = arith.addi %mul3A_49, %add3A_50 : i32
    %dma_start3A_52 = tpu.memref_slice %arg5[%add3A_51] : memref<6400000xi32, #tpu.memory_space<hbm>> -> memref<1600xi32, #tpu.memory_space<hbm>>
    %dma_start3A_53 = tpu.memref_slice %arg5[%add3A_51] : memref<6400000xi32, #tpu.memory_space<hbm>> -> memref<1600xi32, #tpu.memory_space<hbm>>
    tpu.enqueue_dma source(%dma_start3A_53 : memref<1600xi32, #tpu.memory_space<hbm>>) target(%arg29 : memref<1600xi32, #tpu.memory_space<vmem>>) target_semaphore(%arg41 : memref<!tpu.dma_semaphore, #tpu.memory_space<semaphore_mem>>)
    %dma_start3A_54 = tpu.memref_slice %arg6[%add3A_51] : memref<6400000xi32, #tpu.memory_space<hbm>> -> memref<1600xi32, #tpu.memory_space<hbm>>
    %dma_start3A_55 = tpu.memref_slice %arg6[%add3A_51] : memref<6400000xi32, #tpu.memory_space<hbm>> -> memref<1600xi32, #tpu.memory_space<hbm>>
    tpu.enqueue_dma source(%dma_start3A_55 : memref<1600xi32, #tpu.memory_space<hbm>>) target(%arg30 : memref<1600xi32, #tpu.memory_space<vmem>>) target_semaphore(%arg41 : memref<!tpu.dma_semaphore, #tpu.memory_space<semaphore_mem>>)
    %dma_start3A_56 = tpu.memref_slice %arg7[%add3A_51] : memref<6400000xf32, #tpu.memory_space<hbm>> -> memref<1600xf32, #tpu.memory_space<hbm>>
    %dma_start3A_57 = tpu.memref_slice %arg7[%add3A_51] : memref<6400000xf32, #tpu.memory_space<hbm>> -> memref<1600xf32, #tpu.memory_space<hbm>>
    tpu.enqueue_dma source(%dma_start3A_57 : memref<1600xf32, #tpu.memory_space<hbm>>) target(%arg31 : memref<1600xf32, #tpu.memory_space<vmem>>) target_semaphore(%arg41 : memref<!tpu.dma_semaphore, #tpu.memory_space<semaphore_mem>>)
    %dma_start3A_58 = tpu.memref_slice %arg8[%add3A_51] : memref<6400000xf32, #tpu.memory_space<hbm>> -> memref<1600xf32, #tpu.memory_space<hbm>>
    %dma_start3A_59 = tpu.memref_slice %arg8[%add3A_51] : memref<6400000xf32, #tpu.memory_space<hbm>> -> memref<1600xf32, #tpu.memory_space<hbm>>
    tpu.enqueue_dma source(%dma_start3A_59 : memref<1600xf32, #tpu.memory_space<hbm>>) target(%arg32 : memref<1600xf32, #tpu.memory_space<vmem>>) target_semaphore(%arg41 : memref<!tpu.dma_semaphore, #tpu.memory_space<semaphore_mem>>)
    %dma_start3A_60 = tpu.memref_slice %arg9[%add3A_51] : memref<6400000xf32, #tpu.memory_space<hbm>> -> memref<1600xf32, #tpu.memory_space<hbm>>
    %dma_start3A_61 = tpu.memref_slice %arg9[%add3A_51] : memref<6400000xf32, #tpu.memory_space<hbm>> -> memref<1600xf32, #tpu.memory_space<hbm>>
    tpu.enqueue_dma source(%dma_start3A_61 : memref<1600xf32, #tpu.memory_space<hbm>>) target(%arg33 : memref<1600xf32, #tpu.memory_space<vmem>>) target_semaphore(%arg41 : memref<!tpu.dma_semaphore, #tpu.memory_space<semaphore_mem>>)
    %scan3A_62 = arith.constant 0 : i32
    %scan3A_63 = arith.constant 0 : i32
    %scan3A_64 = arith.constant 62 : i32
    %scan3A_65 = arith.addi %scan3A_63, %scan3A_64 : i32
    %scan3A_66 = arith.constant 1 : i32
    scf.for %scan3A_116 = %scan3A_63 to %scan3A_65 step %scan3A_66  : i32 {
      %mul3A_117 = arith.constant 2 : i32
      %mul3A_118 = arith.muli %mul3A_117, %scan3A_116 : i32
      %dma_wait3A_119 = arith.constant 0 : i32
      %dma_wait3A_120 = tpu.memref_slice %arg2[%dma_wait3A_119] : memref<100000xf32, #tpu.memory_space<hbm>> -> memref<1600xf32, #tpu.memory_space<hbm>>
      %dma_wait3A_121 = arith.constant 0 : i32
      %dma_wait3A_122 = tpu.memref_slice %arg2[%dma_wait3A_121] : memref<100000xf32, #tpu.memory_space<hbm>> -> memref<1600xf32, #tpu.memory_space<hbm>>
      tpu.wait_dma2 semaphore(%arg27 : memref<!tpu.dma_semaphore, #tpu.memory_space<semaphore_mem>>) src(%dma_wait3A_122 : memref<1600xf32, #tpu.memory_space<hbm>>) dst(%arg19 : memref<1600xf32, #tpu.memory_space<vmem>>)
      %dma_wait3A_123 = arith.constant 0 : i32
      %dma_wait3A_124 = tpu.memref_slice %arg2[%dma_wait3A_123] : memref<100000xf32, #tpu.memory_space<hbm>> -> memref<1600xf32, #tpu.memory_space<hbm>>
      %dma_wait3A_125 = arith.constant 0 : i32
      %dma_wait3A_126 = tpu.memref_slice %arg2[%dma_wait3A_125] : memref<100000xf32, #tpu.memory_space<hbm>> -> memref<1600xf32, #tpu.memory_space<hbm>>
      tpu.wait_dma2 semaphore(%arg27 : memref<!tpu.dma_semaphore, #tpu.memory_space<semaphore_mem>>) src(%dma_wait3A_126 : memref<1600xf32, #tpu.memory_space<hbm>>) dst(%arg20 : memref<1600xf32, #tpu.memory_space<vmem>>)
      %dma_wait3A_127 = arith.constant 0 : i32
      %dma_wait3A_128 = tpu.memref_slice %arg2[%dma_wait3A_127] : memref<100000xf32, #tpu.memory_space<hbm>> -> memref<1600xf32, #tpu.memory_space<hbm>>
      %dma_wait3A_129 = arith.constant 0 : i32
      %dma_wait3A_130 = tpu.memref_slice %arg2[%dma_wait3A_129] : memref<100000xf32, #tpu.memory_space<hbm>> -> memref<1600xf32, #tpu.memory_space<hbm>>
      tpu.wait_dma2 semaphore(%arg27 : memref<!tpu.dma_semaphore, #tpu.memory_space<semaphore_mem>>) src(%dma_wait3A_130 : memref<1600xf32, #tpu.memory_space<hbm>>) dst(%arg21 : memref<1600xf32, #tpu.memory_space<vmem>>)
      %dma_wait3A_131 = arith.constant 0 : i32
      %dma_wait3A_132 = tpu.memref_slice %arg2[%dma_wait3A_131] : memref<100000xf32, #tpu.memory_space<hbm>> -> memref<1600xf32, #tpu.memory_space<hbm>>
      %dma_wait3A_133 = arith.constant 0 : i32
      %dma_wait3A_134 = tpu.memref_slice %arg2[%dma_wait3A_133] : memref<100000xf32, #tpu.memory_space<hbm>> -> memref<1600xf32, #tpu.memory_space<hbm>>
      tpu.wait_dma2 semaphore(%arg27 : memref<!tpu.dma_semaphore, #tpu.memory_space<semaphore_mem>>) src(%dma_wait3A_134 : memref<1600xf32, #tpu.memory_space<hbm>>) dst(%arg22 : memref<1600xf32, #tpu.memory_space<vmem>>)
      %dma_wait3A_135 = arith.constant 0 : i32
      %dma_wait3A_136 = tpu.memref_slice %arg2[%dma_wait3A_135] : memref<100000xf32, #tpu.memory_space<hbm>> -> memref<1600xf32, #tpu.memory_space<hbm>>
      %dma_wait3A_137 = arith.constant 0 : i32
      %dma_wait3A_138 = tpu.memref_slice %arg2[%dma_wait3A_137] : memref<100000xf32, #tpu.memory_space<hbm>> -> memref<1600xf32, #tpu.memory_space<hbm>>
      tpu.wait_dma2 semaphore(%arg27 : memref<!tpu.dma_semaphore, #tpu.memory_space<semaphore_mem>>) src(%dma_wait3A_138 : memref<1600xf32, #tpu.memory_space<hbm>>) dst(%arg23 : memref<1600xf32, #tpu.memory_space<vmem>>)
      %dma_wait3A_139 = arith.constant 0 : i32
      %dma_wait3A_140 = tpu.memref_slice %arg2[%dma_wait3A_139] : memref<100000xf32, #tpu.memory_space<hbm>> -> memref<1600xf32, #tpu.memory_space<hbm>>
      %dma_wait3A_141 = arith.constant 0 : i32
      %dma_wait3A_142 = tpu.memref_slice %arg2[%dma_wait3A_141] : memref<100000xf32, #tpu.memory_space<hbm>> -> memref<1600xf32, #tpu.memory_space<hbm>>
      tpu.wait_dma2 semaphore(%arg27 : memref<!tpu.dma_semaphore, #tpu.memory_space<semaphore_mem>>) src(%dma_wait3A_142 : memref<1600xf32, #tpu.memory_space<hbm>>) dst(%arg24 : memref<1600xf32, #tpu.memory_space<vmem>>)
      %dma_wait3A_143 = arith.constant 0 : i32
      %dma_wait3A_144 = tpu.memref_slice %arg5[%dma_wait3A_143] : memref<6400000xi32, #tpu.memory_space<hbm>> -> memref<1600xi32, #tpu.memory_space<hbm>>
      %dma_wait3A_145 = arith.constant 0 : i32
      %dma_wait3A_146 = tpu.memref_slice %arg5[%dma_wait3A_145] : memref<6400000xi32, #tpu.memory_space<hbm>> -> memref<1600xi32, #tpu.memory_space<hbm>>
      tpu.wait_dma2 semaphore(%arg41 : memref<!tpu.dma_semaphore, #tpu.memory_space<semaphore_mem>>) src(%dma_wait3A_146 : memref<1600xi32, #tpu.memory_space<hbm>>) dst(%arg29 : memref<1600xi32, #tpu.memory_space<vmem>>)
      %dma_wait3A_147 = arith.constant 0 : i32
      %dma_wait3A_148 = tpu.memref_slice %arg6[%dma_wait3A_147] : memref<6400000xi32, #tpu.memory_space<hbm>> -> memref<1600xi32, #tpu.memory_space<hbm>>
      %dma_wait3A_149 = arith.constant 0 : i32
      %dma_wait3A_150 = tpu.memref_slice %arg6[%dma_wait3A_149] : memref<6400000xi32, #tpu.memory_space<hbm>> -> memref<1600xi32, #tpu.memory_space<hbm>>
      tpu.wait_dma2 semaphore(%arg41 : memref<!tpu.dma_semaphore, #tpu.memory_space<semaphore_mem>>) src(%dma_wait3A_150 : memref<1600xi32, #tpu.memory_space<hbm>>) dst(%arg30 : memref<1600xi32, #tpu.memory_space<vmem>>)
      %dma_wait3A_151 = arith.constant 0 : i32
      %dma_wait3A_152 = tpu.memref_slice %arg7[%dma_wait3A_151] : memref<6400000xf32, #tpu.memory_space<hbm>> -> memref<1600xf32, #tpu.memory_space<hbm>>
      %dma_wait3A_153 = arith.constant 0 : i32
      %dma_wait3A_154 = tpu.memref_slice %arg7[%dma_wait3A_153] : memref<6400000xf32, #tpu.memory_space<hbm>> -> memref<1600xf32, #tpu.memory_space<hbm>>
      tpu.wait_dma2 semaphore(%arg41 : memref<!tpu.dma_semaphore, #tpu.memory_space<semaphore_mem>>) src(%dma_wait3A_154 : memref<1600xf32, #tpu.memory_space<hbm>>) dst(%arg31 : memref<1600xf32, #tpu.memory_space<vmem>>)
      %dma_wait3A_155 = arith.constant 0 : i32
      %dma_wait3A_156 = tpu.memref_slice %arg7[%dma_wait3A_155] : memref<6400000xf32, #tpu.memory_space<hbm>> -> memref<1600xf32, #tpu.memory_space<hbm>>
      %dma_wait3A_157 = arith.constant 0 : i32
      %dma_wait3A_158 = tpu.memref_slice %arg7[%dma_wait3A_157] : memref<6400000xf32, #tpu.memory_space<hbm>> -> memref<1600xf32, #tpu.memory_space<hbm>>
      tpu.wait_dma2 semaphore(%arg41 : memref<!tpu.dma_semaphore, #tpu.memory_space<semaphore_mem>>) src(%dma_wait3A_158 : memref<1600xf32, #tpu.memory_space<hbm>>) dst(%arg32 : memref<1600xf32, #tpu.memory_space<vmem>>)
      %dma_wait3A_159 = arith.constant 0 : i32
      %dma_wait3A_160 = tpu.memref_slice %arg7[%dma_wait3A_159] : memref<6400000xf32, #tpu.memory_space<hbm>> -> memref<1600xf32, #tpu.memory_space<hbm>>
      %dma_wait3A_161 = arith.constant 0 : i32
      %dma_wait3A_162 = tpu.memref_slice %arg7[%dma_wait3A_161] : memref<6400000xf32, #tpu.memory_space<hbm>> -> memref<1600xf32, #tpu.memory_space<hbm>>
      tpu.wait_dma2 semaphore(%arg41 : memref<!tpu.dma_semaphore, #tpu.memory_space<semaphore_mem>>) src(%dma_wait3A_162 : memref<1600xf32, #tpu.memory_space<hbm>>) dst(%arg33 : memref<1600xf32, #tpu.memory_space<vmem>>)
      %scan3A_163 = arith.constant 0 : i32
      %scan3A_164 = arith.constant 0 : i32
      %scan3A_165 = arith.constant 20 : i32
      %scan3A_166 = arith.addi %scan3A_164, %scan3A_165 : i32
      %scan3A_167 = arith.constant 1 : i32
      scf.for %scan3A_249 = %scan3A_164 to %scan3A_166 step %scan3A_167  : i32 {
        %mul3A_250 = arith.constant 80 : i32
        %mul3A_251 = arith.muli %scan3A_249, %mul3A_250 : i32
        %dma_start3A_252 = tpu.memref_slice %arg34[%mul3A_251] : memref<1600xf32, #tpu.memory_space<vmem>> -> memref<80xf32, #tpu.memory_space<vmem>>
        %dma_start3A_253 = tpu.memref_slice %arg29[%mul3A_251] : memref<1600xi32, #tpu.memory_space<vmem>> -> memref<80xi32, #tpu.memory_space<vmem>>
        %dma_start3A_254 = arith.constant 0 : i32
        %dma_start3A_255 = tpu.memref_slice %arg11[%dma_start3A_254] : memref<100000xf32, #tpu.memory_space<vmem_shared>> -> memref<100000xf32, #tpu.memory_space<vmem_shared>>
        tpu.enqueue_indirect_dma source(%dma_start3A_255 : memref<100000xf32, #tpu.memory_space<vmem_shared>>) target(%dma_start3A_252 : memref<80xf32, #tpu.memory_space<vmem>>) offsets(%dma_start3A_253 : memref<80xi32, #tpu.memory_space<vmem>>) semaphore(%arg42 : memref<!tpu.dma_semaphore, #tpu.memory_space<semaphore_mem>>)
        %dma_start3A_256 = tpu.memref_slice %arg37[%mul3A_251] : memref<1600xf32, #tpu.memory_space<vmem>> -> memref<80xf32, #tpu.memory_space<vmem>>
        %dma_start3A_257 = tpu.memref_slice %arg30[%mul3A_251] : memref<1600xi32, #tpu.memory_space<vmem>> -> memref<80xi32, #tpu.memory_space<vmem>>
        %dma_start3A_258 = arith.constant 0 : i32
        %dma_start3A_259 = tpu.memref_slice %arg11[%dma_start3A_258] : memref<100000xf32, #tpu.memory_space<vmem_shared>> -> memref<100000xf32, #tpu.memory_space<vmem_shared>>
        tpu.enqueue_indirect_dma source(%dma_start3A_259 : memref<100000xf32, #tpu.memory_space<vmem_shared>>) target(%dma_start3A_256 : memref<80xf32, #tpu.memory_space<vmem>>) offsets(%dma_start3A_257 : memref<80xi32, #tpu.memory_space<vmem>>) semaphore(%arg42 : memref<!tpu.dma_semaphore, #tpu.memory_space<semaphore_mem>>)
        %dma_start3A_260 = tpu.memref_slice %arg35[%mul3A_251] : memref<1600xf32, #tpu.memory_space<vmem>> -> memref<80xf32, #tpu.memory_space<vmem>>
        %dma_start3A_261 = tpu.memref_slice %arg29[%mul3A_251] : memref<1600xi32, #tpu.memory_space<vmem>> -> memref<80xi32, #tpu.memory_space<vmem>>
        %dma_start3A_262 = arith.constant 0 : i32
        %dma_start3A_263 = tpu.memref_slice %arg12[%dma_start3A_262] : memref<100000xf32, #tpu.memory_space<vmem_shared>> -> memref<100000xf32, #tpu.memory_space<vmem_shared>>
        tpu.enqueue_indirect_dma source(%dma_start3A_263 : memref<100000xf32, #tpu.memory_space<vmem_shared>>) target(%dma_start3A_260 : memref<80xf32, #tpu.memory_space<vmem>>) offsets(%dma_start3A_261 : memref<80xi32, #tpu.memory_space<vmem>>) semaphore(%arg42 : memref<!tpu.dma_semaphore, #tpu.memory_space<semaphore_mem>>)
        %dma_start3A_264 = tpu.memref_slice %arg38[%mul3A_251] : memref<1600xf32, #tpu.memory_space<vmem>> -> memref<80xf32, #tpu.memory_space<vmem>>
        %dma_start3A_265 = tpu.memref_slice %arg30[%mul3A_251] : memref<1600xi32, #tpu.memory_space<vmem>> -> memref<80xi32, #tpu.memory_space<vmem>>
        %dma_start3A_266 = arith.constant 0 : i32
        %dma_start3A_267 = tpu.memref_slice %arg12[%dma_start3A_266] : memref<100000xf32, #tpu.memory_space<vmem_shared>> -> memref<100000xf32, #tpu.memory_space<vmem_shared>>
        tpu.enqueue_indirect_dma source(%dma_start3A_267 : memref<100000xf32, #tpu.memory_space<vmem_shared>>) target(%dma_start3A_264 : memref<80xf32, #tpu.memory_space<vmem>>) offsets(%dma_start3A_265 : memref<80xi32, #tpu.memory_space<vmem>>) semaphore(%arg42 : memref<!tpu.dma_semaphore, #tpu.memory_space<semaphore_mem>>)
        %dma_start3A_268 = tpu.memref_slice %arg36[%mul3A_251] : memref<1600xf32, #tpu.memory_space<vmem>> -> memref<80xf32, #tpu.memory_space<vmem>>
        %dma_start3A_269 = tpu.memref_slice %arg29[%mul3A_251] : memref<1600xi32, #tpu.memory_space<vmem>> -> memref<80xi32, #tpu.memory_space<vmem>>
        %dma_start3A_270 = arith.constant 0 : i32
        %dma_start3A_271 = tpu.memref_slice %arg13[%dma_start3A_270] : memref<100000xf32, #tpu.memory_space<vmem_shared>> -> memref<100000xf32, #tpu.memory_space<vmem_shared>>
        tpu.enqueue_indirect_dma source(%dma_start3A_271 : memref<100000xf32, #tpu.memory_space<vmem_shared>>) target(%dma_start3A_268 : memref<80xf32, #tpu.memory_space<vmem>>) offsets(%dma_start3A_269 : memref<80xi32, #tpu.memory_space<vmem>>) semaphore(%arg42 : memref<!tpu.dma_semaphore, #tpu.memory_space<semaphore_mem>>)
        %dma_start3A_272 = tpu.memref_slice %arg39[%mul3A_251] : memref<1600xf32, #tpu.memory_space<vmem>> -> memref<80xf32, #tpu.memory_space<vmem>>
        %dma_start3A_273 = tpu.memref_slice %arg30[%mul3A_251] : memref<1600xi32, #tpu.memory_space<vmem>> -> memref<80xi32, #tpu.memory_space<vmem>>
        %dma_start3A_274 = arith.constant 0 : i32
        %dma_start3A_275 = tpu.memref_slice %arg13[%dma_start3A_274] : memref<100000xf32, #tpu.memory_space<vmem_shared>> -> memref<100000xf32, #tpu.memory_space<vmem_shared>>
        tpu.enqueue_indirect_dma source(%dma_start3A_275 : memref<100000xf32, #tpu.memory_space<vmem_shared>>) target(%dma_start3A_272 : memref<80xf32, #tpu.memory_space<vmem>>) offsets(%dma_start3A_273 : memref<80xi32, #tpu.memory_space<vmem>>) semaphore(%arg42 : memref<!tpu.dma_semaphore, #tpu.memory_space<semaphore_mem>>)
      }
      %scan3A_168 = arith.constant 20 : i32
      %dma_wait3A_169 = arith.constant 0 : i32
      %dma_wait3A_170 = tpu.memref_slice %arg10[%dma_wait3A_169] : memref<6400000xf32, #tpu.memory_space<hbm>> -> memref<1600xf32, #tpu.memory_space<hbm>>
      %dma_wait3A_171 = arith.constant 0 : i32
      %dma_wait3A_172 = tpu.memref_slice %arg10[%dma_wait3A_171] : memref<6400000xf32, #tpu.memory_space<hbm>> -> memref<1600xf32, #tpu.memory_space<hbm>>
      tpu.wait_dma2 semaphore(%arg28 : memref<!tpu.dma_semaphore, #tpu.memory_space<semaphore_mem>>) src(%dma_wait3A_172 : memref<1600xf32, #tpu.memory_space<hbm>>) dst(%arg25 : memref<1600xf32, #tpu.memory_space<vmem>>)
      %scan3A_173 = arith.constant 0 : i32
      %scan3A_174 = arith.constant 0 : i32
      %scan3A_175 = arith.constant 100 : i32
      %scan3A_176 = arith.addi %scan3A_174, %scan3A_175 : i32
      %scan3A_177 = arith.constant 1 : i32
      scf.for %scan3A_249 = %scan3A_174 to %scan3A_176 step %scan3A_177  : i32 {
        %mul3A_250 = arith.constant 16 : i32
        %mul3A_251 = arith.muli %scan3A_249, %mul3A_250 : i32
        %get3A = arith.index_cast %mul3A_251 : i32 to index
        %get3A_252 = tpu.vector_load %arg19[%get3A] {strides = array<i32>} : memref<1600xf32, #tpu.memory_space<vmem>>, vector<16xf32>,
        %get3A_253 = arith.index_cast %mul3A_251 : i32 to index
        %get3A_254 = tpu.vector_load %arg22[%get3A_253] {strides = array<i32>} : memref<1600xf32, #tpu.memory_space<vmem>>, vector<16xf32>,
        %sub3A = arith.subf %get3A_252, %get3A_254 : vector<16xf32>
        %get3A_255 = arith.index_cast %mul3A_251 : i32 to index
        %get3A_256 = tpu.vector_load %arg16[%get3A_255] {strides = array<i32>} : memref<1600xf32, #tpu.memory_space<vmem>>, vector<16xf32>,
        %sub3A_257 = arith.subf %sub3A, %get3A_256 : vector<16xf32>
        %get3A_258 = arith.index_cast %mul3A_251 : i32 to index
        %get3A_259 = tpu.vector_load %arg20[%get3A_258] {strides = array<i32>} : memref<1600xf32, #tpu.memory_space<vmem>>, vector<16xf32>,
        %get3A_260 = arith.index_cast %mul3A_251 : i32 to index
        %get3A_261 = tpu.vector_load %arg23[%get3A_260] {strides = array<i32>} : memref<1600xf32, #tpu.memory_space<vmem>>, vector<16xf32>,
        %sub3A_262 = arith.subf %get3A_259, %get3A_261 : vector<16xf32>
        %get3A_263 = arith.index_cast %mul3A_251 : i32 to index
        %get3A_264 = tpu.vector_load %arg17[%get3A_263] {strides = array<i32>} : memref<1600xf32, #tpu.memory_space<vmem>>, vector<16xf32>,
        %sub3A_265 = arith.subf %sub3A_262, %get3A_264 : vector<16xf32>
        %get3A_266 = arith.index_cast %mul3A_251 : i32 to index
        %get3A_267 = tpu.vector_load %arg21[%get3A_266] {strides = array<i32>} : memref<1600xf32, #tpu.memory_space<vmem>>, vector<16xf32>,
        %get3A_268 = arith.index_cast %mul3A_251 : i32 to index
        %get3A_269 = tpu.vector_load %arg24[%get3A_268] {strides = array<i32>} : memref<1600xf32, #tpu.memory_space<vmem>>, vector<16xf32>,
        %sub3A_270 = arith.subf %get3A_267, %get3A_269 : vector<16xf32>
        %get3A_271 = arith.index_cast %mul3A_251 : i32 to index
        %get3A_272 = tpu.vector_load %arg18[%get3A_271] {strides = array<i32>} : memref<1600xf32, #tpu.memory_space<vmem>>, vector<16xf32>,
        %sub3A_273 = arith.subf %sub3A_270, %get3A_272 : vector<16xf32>
        %mul3A_274 = arith.mulf %sub3A_257, %sub3A_257 : vector<16xf32>
        %mul3A_275 = arith.mulf %sub3A_265, %sub3A_265 : vector<16xf32>
        %add3A_276 = arith.addf %mul3A_274, %mul3A_275 : vector<16xf32>
        %mul3A_277 = arith.mulf %sub3A_273, %sub3A_273 : vector<16xf32>
        %add3A_278 = arith.addf %add3A_276, %mul3A_277 : vector<16xf32>
        %max3A = arith.constant 0.000000e+00 : f32
        %max3A_279 = vector.broadcast %max3A : f32 to vector<16xf32>
        %max3A_280 = arith.maximumf %add3A_278, %max3A_279 : vector<16xf32>
        %bitcast3A = vector.bitcast %max3A_280 : vector<16xf32> to vector<16xi32>
        %shift_right_arithmetic3A = arith.constant 1 : i32
        %shift_right_arithmetic3A_281 = vector.broadcast %shift_right_arithmetic3A : i32 to vector<16xi32>
        %shift_right_arithmetic3A_282 = arith.shrsi %bitcast3A, %shift_right_arithmetic3A_281 : vector<16xi32>
        %sub3A_283 = arith.constant 1597463007 : i32
        %sub3A_284 = vector.broadcast %sub3A_283 : i32 to vector<16xi32>
        %sub3A_285 = arith.subi %sub3A_284, %shift_right_arithmetic3A_282 : vector<16xi32>
        %bitcast3A_286 = vector.bitcast %sub3A_285 : vector<16xi32> to vector<16xf32>
        %mul3A_287 = arith.constant 5.000000e-01 : f32
        %mul3A_288 = vector.broadcast %mul3A_287 : f32 to vector<16xf32>
        %mul3A_289 = arith.mulf %mul3A_288, %max3A_280 : vector<16xf32>
        %mul3A_290 = arith.mulf %mul3A_289, %bitcast3A_286 : vector<16xf32>
        %mul3A_291 = arith.mulf %mul3A_290, %bitcast3A_286 : vector<16xf32>
        %sub3A_292 = arith.constant 1.500000e+00 : f32
        %sub3A_293 = vector.broadcast %sub3A_292 : f32 to vector<16xf32>
        %sub3A_294 = arith.subf %sub3A_293, %mul3A_291 : vector<16xf32>
        %mul3A_295 = arith.mulf %bitcast3A_286, %sub3A_294 : vector<16xf32>
        %mul3A_296 = arith.mulf %mul3A_289, %mul3A_295 : vector<16xf32>
        %mul3A_297 = arith.mulf %mul3A_296, %mul3A_295 : vector<16xf32>
        %sub3A_298 = arith.constant 1.500000e+00 : f32
        %sub3A_299 = vector.broadcast %sub3A_298 : f32 to vector<16xf32>
        %sub3A_300 = arith.subf %sub3A_299, %mul3A_297 : vector<16xf32>
        %mul3A_301 = arith.mulf %mul3A_295, %sub3A_300 : vector<16xf32>
        %mul3A_302 = arith.mulf %max3A_280, %mul3A_301 : vector<16xf32>
        %swap3A = arith.index_cast %mul3A_251 : i32 to index
        %swap3A_303 = tpu.vector_load %arg25[%swap3A] {strides = array<i32>} : memref<1600xf32, #tpu.memory_space<vmem>>, vector<16xf32>,
        tpu.vector_store %arg25[%swap3A], %mul3A_302 {strides = array<i32>} : memref<1600xf32, #tpu.memory_space<vmem>>, vector<16xf32>,
      }
      %scan3A_178 = arith.constant 100 : i32
      %mul3A_179 = arith.constant 200000 : i32
      %mul3A_180 = arith.muli %add3A, %mul3A_179 : i32
      %mul3A_181 = arith.constant 1600 : i32
      %mul3A_182 = arith.muli %mul3A_118, %mul3A_181 : i32
      %add3A_183 = arith.addi %mul3A_180, %mul3A_182 : i32
      %dma_start3A_184 = tpu.memref_slice %arg10[%add3A_183] : memref<6400000xf32, #tpu.memory_space<hbm>> -> memref<1600xf32, #tpu.memory_space<hbm>>
      %dma_start3A_185 = tpu.memref_slice %arg10[%add3A_183] : memref<6400000xf32, #tpu.memory_space<hbm>> -> memref<1600xf32, #tpu.memory_space<hbm>>
      tpu.enqueue_dma source(%arg25 : memref<1600xf32, #tpu.memory_space<vmem>>) target(%dma_start3A_185 : memref<1600xf32, #tpu.memory_space<hbm>>) target_semaphore(%arg28 : memref<!tpu.dma_semaphore, #tpu.memory_space<semaphore_mem>>)
      %add3A_186 = arith.constant 2 : i32
      %add3A_187 = arith.addi %mul3A_118, %add3A_186 : i32
      %lt3A = arith.constant 125 : i32
      %lt3A_188 = arith.cmpi slt, %add3A_187, %lt3A : i32
      %convert_element_type3A_189 = arith.extui %lt3A_188 : i1 to i32
      %cond3A_190 = arith.constant 0 : i32
      %cond3A_191 = arith.cmpi ne, %convert_element_type3A_189, %cond3A_190 : i32
      scf.if %cond3A_191 {
        %mul3A_249 = arith.constant 200000 : i32
        %mul3A_250 = arith.muli %add3A, %mul3A_249 : i32
        %mul3A_251 = arith.constant 1600 : i32
        %mul3A_252 = arith.muli %add3A_187, %mul3A_251 : i32
        %add3A_253 = arith.addi %mul3A_250, %mul3A_252 : i32
        %dma_start3A_254 = tpu.memref_slice %arg5[%add3A_253] : memref<6400000xi32, #tpu.memory_space<hbm>> -> memref<1600xi32, #tpu.memory_space<hbm>>
        %dma_start3A_255 = tpu.memref_slice %arg5[%add3A_253] : memref<6400000xi32, #tpu.memory_space<hbm>> -> memref<1600xi32, #tpu.memory_space<hbm>>
        tpu.enqueue_dma source(%dma_start3A_255 : memref<1600xi32, #tpu.memory_space<hbm>>) target(%arg14 : memref<1600xi32, #tpu.memory_space<vmem>>) target_semaphore(%arg26 : memref<!tpu.dma_semaphore, #tpu.memory_space<semaphore_mem>>)
        %dma_start3A_256 = tpu.memref_slice %arg6[%add3A_253] : memref<6400000xi32, #tpu.memory_space<hbm>> -> memref<1600xi32, #tpu.memory_space<hbm>>
        %dma_start3A_257 = tpu.memref_slice %arg6[%add3A_253] : memref<6400000xi32, #tpu.memory_space<hbm>> -> memref<1600xi32, #tpu.memory_space<hbm>>
        tpu.enqueue_dma source(%dma_start3A_257 : memref<1600xi32, #tpu.memory_space<hbm>>) target(%arg15 : memref<1600xi32, #tpu.memory_space<vmem>>) target_semaphore(%arg26 : memref<!tpu.dma_semaphore, #tpu.memory_space<semaphore_mem>>)
        %dma_start3A_258 = tpu.memref_slice %arg7[%add3A_253] : memref<6400000xf32, #tpu.memory_space<hbm>> -> memref<1600xf32, #tpu.memory_space<hbm>>
        %dma_start3A_259 = tpu.memref_slice %arg7[%add3A_253] : memref<6400000xf32, #tpu.memory_space<hbm>> -> memref<1600xf32, #tpu.memory_space<hbm>>
        tpu.enqueue_dma source(%dma_start3A_259 : memref<1600xf32, #tpu.memory_space<hbm>>) target(%arg16 : memref<1600xf32, #tpu.memory_space<vmem>>) target_semaphore(%arg26 : memref<!tpu.dma_semaphore, #tpu.memory_space<semaphore_mem>>)
        %dma_start3A_260 = tpu.memref_slice %arg8[%add3A_253] : memref<6400000xf32, #tpu.memory_space<hbm>> -> memref<1600xf32, #tpu.memory_space<hbm>>
        %dma_start3A_261 = tpu.memref_slice %arg8[%add3A_253] : memref<6400000xf32, #tpu.memory_space<hbm>> -> memref<1600xf32, #tpu.memory_space<hbm>>
        tpu.enqueue_dma source(%dma_start3A_261 : memref<1600xf32, #tpu.memory_space<hbm>>) target(%arg17 : memref<1600xf32, #tpu.memory_space<vmem>>) target_semaphore(%arg26 : memref<!tpu.dma_semaphore, #tpu.memory_space<semaphore_mem>>)
        %dma_start3A_262 = tpu.memref_slice %arg9[%add3A_253] : memref<6400000xf32, #tpu.memory_space<hbm>> -> memref<1600xf32, #tpu.memory_space<hbm>>
        %dma_start3A_263 = tpu.memref_slice %arg9[%add3A_253] : memref<6400000xf32, #tpu.memory_space<hbm>> -> memref<1600xf32, #tpu.memory_space<hbm>>
        tpu.enqueue_dma source(%dma_start3A_263 : memref<1600xf32, #tpu.memory_space<hbm>>) target(%arg18 : memref<1600xf32, #tpu.memory_space<vmem>>) target_semaphore(%arg26 : memref<!tpu.dma_semaphore, #tpu.memory_space<semaphore_mem>>)
      } else {
      }
      %dma_wait3A_192 = arith.constant 0 : i32
      %dma_wait3A_193 = tpu.memref_slice %arg2[%dma_wait3A_192] : memref<100000xf32, #tpu.memory_space<hbm>> -> memref<1600xf32, #tpu.memory_space<hbm>>
      %dma_wait3A_194 = arith.constant 0 : i32
      %dma_wait3A_195 = tpu.memref_slice %arg2[%dma_wait3A_194] : memref<100000xf32, #tpu.memory_space<hbm>> -> memref<1600xf32, #tpu.memory_space<hbm>>
      tpu.wait_dma2 semaphore(%arg42 : memref<!tpu.dma_semaphore, #tpu.memory_space<semaphore_mem>>) src(%dma_wait3A_195 : memref<1600xf32, #tpu.memory_space<hbm>>) dst(%arg34 : memref<1600xf32, #tpu.memory_space<vmem>>)
      %dma_wait3A_196 = arith.constant 0 : i32
      %dma_wait3A_197 = tpu.memref_slice %arg2[%dma_wait3A_196] : memref<100000xf32, #tpu.memory_space<hbm>> -> memref<1600xf32, #tpu.memory_space<hbm>>
      %dma_wait3A_198 = arith.constant 0 : i32
      %dma_wait3A_199 = tpu.memref_slice %arg2[%dma_wait3A_198] : memref<100000xf32, #tpu.memory_space<hbm>> -> memref<1600xf32, #tpu.memory_space<hbm>>
      tpu.wait_dma2 semaphore(%arg42 : memref<!tpu.dma_semaphore, #tpu.memory_space<semaphore_mem>>) src(%dma_wait3A_199 : memref<1600xf32, #tpu.memory_space<hbm>>) dst(%arg35 : memref<1600xf32, #tpu.memory_space<vmem>>)
      %dma_wait3A_200 = arith.constant 0 : i32
      %dma_wait3A_201 = tpu.memref_slice %arg2[%dma_wait3A_200] : memref<100000xf32, #tpu.memory_space<hbm>> -> memref<1600xf32, #tpu.memory_space<hbm>>
      %dma_wait3A_202 = arith.constant 0 : i32
      %dma_wait3A_203 = tpu.memref_slice %arg2[%dma_wait3A_202] : memref<100000xf32, #tpu.memory_space<hbm>> -> memref<1600xf32, #tpu.memory_space<hbm>>
      tpu.wait_dma2 semaphore(%arg42 : memref<!tpu.dma_semaphore, #tpu.memory_space<semaphore_mem>>) src(%dma_wait3A_203 : memref<1600xf32, #tpu.memory_space<hbm>>) dst(%arg36 : memref<1600xf32, #tpu.memory_space<vmem>>)
      %dma_wait3A_204 = arith.constant 0 : i32
      %dma_wait3A_205 = tpu.memref_slice %arg2[%dma_wait3A_204] : memref<100000xf32, #tpu.memory_space<hbm>> -> memref<1600xf32, #tpu.memory_space<hbm>>
      %dma_wait3A_206 = arith.constant 0 : i32
      %dma_wait3A_207 = tpu.memref_slice %arg2[%dma_wait3A_206] : memref<100000xf32, #tpu.memory_space<hbm>> -> memref<1600xf32, #tpu.memory_space<hbm>>
      tpu.wait_dma2 semaphore(%arg42 : memref<!tpu.dma_semaphore, #tpu.memory_space<semaphore_mem>>) src(%dma_wait3A_207 : memref<1600xf32, #tpu.memory_space<hbm>>) dst(%arg37 : memref<1600xf32, #tpu.memory_space<vmem>>)
      %dma_wait3A_208 = arith.constant 0 : i32
      %dma_wait3A_209 = tpu.memref_slice %arg2[%dma_wait3A_208] : memref<100000xf32, #tpu.memory_space<hbm>> -> memref<1600xf32, #tpu.memory_space<hbm>>
      %dma_wait3A_210 = arith.constant 0 : i32
      %dma_wait3A_211 = tpu.memref_slice %arg2[%dma_wait3A_210] : memref<100000xf32, #tpu.memory_space<hbm>> -> memref<1600xf32, #tpu.memory_space<hbm>>
      tpu.wait_dma2 semaphore(%arg42 : memref<!tpu.dma_semaphore, #tpu.memory_space<semaphore_mem>>) src(%dma_wait3A_211 : memref<1600xf32, #tpu.memory_space<hbm>>) dst(%arg38 : memref<1600xf32, #tpu.memory_space<vmem>>)
      %dma_wait3A_212 = arith.constant 0 : i32
      %dma_wait3A_213 = tpu.memref_slice %arg2[%dma_wait3A_212] : memref<100000xf32, #tpu.memory_space<hbm>> -> memref<1600xf32, #tpu.memory_space<hbm>>
      %dma_wait3A_214 = arith.constant 0 : i32
      %dma_wait3A_215 = tpu.memref_slice %arg2[%dma_wait3A_214] : memref<100000xf32, #tpu.memory_space<hbm>> -> memref<1600xf32, #tpu.memory_space<hbm>>
      tpu.wait_dma2 semaphore(%arg42 : memref<!tpu.dma_semaphore, #tpu.memory_space<semaphore_mem>>) src(%dma_wait3A_215 : memref<1600xf32, #tpu.memory_space<hbm>>) dst(%arg39 : memref<1600xf32, #tpu.memory_space<vmem>>)
      %add3A_216 = arith.constant 2 : i32
      %add3A_217 = arith.addi %mul3A_118, %add3A_216 : i32
      %lt3A_218 = arith.constant 125 : i32
      %lt3A_219 = arith.cmpi slt, %add3A_217, %lt3A_218 : i32
      %convert_element_type3A_220 = arith.extui %lt3A_219 : i1 to i32
      %cond3A_221 = arith.constant 0 : i32
      %cond3A_222 = arith.cmpi ne, %convert_element_type3A_220, %cond3A_221 : i32
      scf.if %cond3A_222 {
        %dma_wait3A_249 = arith.constant 0 : i32
        %dma_wait3A_250 = tpu.memref_slice %arg5[%dma_wait3A_249] : memref<6400000xi32, #tpu.memory_space<hbm>> -> memref<1600xi32, #tpu.memory_space<hbm>>
        %dma_wait3A_251 = arith.constant 0 : i32
        %dma_wait3A_252 = tpu.memref_slice %arg5[%dma_wait3A_251] : memref<6400000xi32, #tpu.memory_space<hbm>> -> memref<1600xi32, #tpu.memory_space<hbm>>
        tpu.wait_dma2 semaphore(%arg26 : memref<!tpu.dma_semaphore, #tpu.memory_space<semaphore_mem>>) src(%dma_wait3A_252 : memref<1600xi32, #tpu.memory_space<hbm>>) dst(%arg14 : memref<1600xi32, #tpu.memory_space<vmem>>)
        %dma_wait3A_253 = arith.constant 0 : i32
        %dma_wait3A_254 = tpu.memref_slice %arg6[%dma_wait3A_253] : memref<6400000xi32, #tpu.memory_space<hbm>> -> memref<1600xi32, #tpu.memory_space<hbm>>
        %dma_wait3A_255 = arith.constant 0 : i32
        %dma_wait3A_256 = tpu.memref_slice %arg6[%dma_wait3A_255] : memref<6400000xi32, #tpu.memory_space<hbm>> -> memref<1600xi32, #tpu.memory_space<hbm>>
        tpu.wait_dma2 semaphore(%arg26 : memref<!tpu.dma_semaphore, #tpu.memory_space<semaphore_mem>>) src(%dma_wait3A_256 : memref<1600xi32, #tpu.memory_space<hbm>>) dst(%arg15 : memref<1600xi32, #tpu.memory_space<vmem>>)
        %dma_wait3A_257 = arith.constant 0 : i32
        %dma_wait3A_258 = tpu.memref_slice %arg7[%dma_wait3A_257] : memref<6400000xf32, #tpu.memory_space<hbm>> -> memref<1600xf32, #tpu.memory_space<hbm>>
        %dma_wait3A_259 = arith.constant 0 : i32
        %dma_wait3A_260 = tpu.memref_slice %arg7[%dma_wait3A_259] : memref<6400000xf32, #tpu.memory_space<hbm>> -> memref<1600xf32, #tpu.memory_space<hbm>>
        tpu.wait_dma2 semaphore(%arg26 : memref<!tpu.dma_semaphore, #tpu.memory_space<semaphore_mem>>) src(%dma_wait3A_260 : memref<1600xf32, #tpu.memory_space<hbm>>) dst(%arg16 : memref<1600xf32, #tpu.memory_space<vmem>>)
        %dma_wait3A_261 = arith.constant 0 : i32
        %dma_wait3A_262 = tpu.memref_slice %arg7[%dma_wait3A_261] : memref<6400000xf32, #tpu.memory_space<hbm>> -> memref<1600xf32, #tpu.memory_space<hbm>>
        %dma_wait3A_263 = arith.constant 0 : i32
        %dma_wait3A_264 = tpu.memref_slice %arg7[%dma_wait3A_263] : memref<6400000xf32, #tpu.memory_space<hbm>> -> memref<1600xf32, #tpu.memory_space<hbm>>
        tpu.wait_dma2 semaphore(%arg26 : memref<!tpu.dma_semaphore, #tpu.memory_space<semaphore_mem>>) src(%dma_wait3A_264 : memref<1600xf32, #tpu.memory_space<hbm>>) dst(%arg17 : memref<1600xf32, #tpu.memory_space<vmem>>)
        %dma_wait3A_265 = arith.constant 0 : i32
        %dma_wait3A_266 = tpu.memref_slice %arg7[%dma_wait3A_265] : memref<6400000xf32, #tpu.memory_space<hbm>> -> memref<1600xf32, #tpu.memory_space<hbm>>
        %dma_wait3A_267 = arith.constant 0 : i32
        %dma_wait3A_268 = tpu.memref_slice %arg7[%dma_wait3A_267] : memref<6400000xf32, #tpu.memory_space<hbm>> -> memref<1600xf32, #tpu.memory_space<hbm>>
        tpu.wait_dma2 semaphore(%arg26 : memref<!tpu.dma_semaphore, #tpu.memory_space<semaphore_mem>>) src(%dma_wait3A_268 : memref<1600xf32, #tpu.memory_space<hbm>>) dst(%arg18 : memref<1600xf32, #tpu.memory_space<vmem>>)
        %scan3A_269 = arith.constant 0 : i32
        %scan3A_270 = arith.constant 0 : i32
        %scan3A_271 = arith.constant 20 : i32
        %scan3A_272 = arith.addi %scan3A_270, %scan3A_271 : i32
        %scan3A_273 = arith.constant 1 : i32
        scf.for %scan3A_275 = %scan3A_270 to %scan3A_272 step %scan3A_273  : i32 {
          %mul3A_276 = arith.constant 80 : i32
          %mul3A_277 = arith.muli %scan3A_275, %mul3A_276 : i32
          %dma_start3A_278 = tpu.memref_slice %arg19[%mul3A_277] : memref<1600xf32, #tpu.memory_space<vmem>> -> memref<80xf32, #tpu.memory_space<vmem>>
          %dma_start3A_279 = tpu.memref_slice %arg14[%mul3A_277] : memref<1600xi32, #tpu.memory_space<vmem>> -> memref<80xi32, #tpu.memory_space<vmem>>
          %dma_start3A_280 = arith.constant 0 : i32
          %dma_start3A_281 = tpu.memref_slice %arg11[%dma_start3A_280] : memref<100000xf32, #tpu.memory_space<vmem_shared>> -> memref<100000xf32, #tpu.memory_space<vmem_shared>>
          tpu.enqueue_indirect_dma source(%dma_start3A_281 : memref<100000xf32, #tpu.memory_space<vmem_shared>>) target(%dma_start3A_278 : memref<80xf32, #tpu.memory_space<vmem>>) offsets(%dma_start3A_279 : memref<80xi32, #tpu.memory_space<vmem>>) semaphore(%arg27 : memref<!tpu.dma_semaphore, #tpu.memory_space<semaphore_mem>>)
          %dma_start3A_282 = tpu.memref_slice %arg22[%mul3A_277] : memref<1600xf32, #tpu.memory_space<vmem>> -> memref<80xf32, #tpu.memory_space<vmem>>
          %dma_start3A_283 = tpu.memref_slice %arg15[%mul3A_277] : memref<1600xi32, #tpu.memory_space<vmem>> -> memref<80xi32, #tpu.memory_space<vmem>>
          %dma_start3A_284 = arith.constant 0 : i32
          %dma_start3A_285 = tpu.memref_slice %arg11[%dma_start3A_284] : memref<100000xf32, #tpu.memory_space<vmem_shared>> -> memref<100000xf32, #tpu.memory_space<vmem_shared>>
          tpu.enqueue_indirect_dma source(%dma_start3A_285 : memref<100000xf32, #tpu.memory_space<vmem_shared>>) target(%dma_start3A_282 : memref<80xf32, #tpu.memory_space<vmem>>) offsets(%dma_start3A_283 : memref<80xi32, #tpu.memory_space<vmem>>) semaphore(%arg27 : memref<!tpu.dma_semaphore, #tpu.memory_space<semaphore_mem>>)
          %dma_start3A_286 = tpu.memref_slice %arg20[%mul3A_277] : memref<1600xf32, #tpu.memory_space<vmem>> -> memref<80xf32, #tpu.memory_space<vmem>>
          %dma_start3A_287 = tpu.memref_slice %arg14[%mul3A_277] : memref<1600xi32, #tpu.memory_space<vmem>> -> memref<80xi32, #tpu.memory_space<vmem>>
          %dma_start3A_288 = arith.constant 0 : i32
          %dma_start3A_289 = tpu.memref_slice %arg12[%dma_start3A_288] : memref<100000xf32, #tpu.memory_space<vmem_shared>> -> memref<100000xf32, #tpu.memory_space<vmem_shared>>
          tpu.enqueue_indirect_dma source(%dma_start3A_289 : memref<100000xf32, #tpu.memory_space<vmem_shared>>) target(%dma_start3A_286 : memref<80xf32, #tpu.memory_space<vmem>>) offsets(%dma_start3A_287 : memref<80xi32, #tpu.memory_space<vmem>>) semaphore(%arg27 : memref<!tpu.dma_semaphore, #tpu.memory_space<semaphore_mem>>)
          %dma_start3A_290 = tpu.memref_slice %arg23[%mul3A_277] : memref<1600xf32, #tpu.memory_space<vmem>> -> memref<80xf32, #tpu.memory_space<vmem>>
          %dma_start3A_291 = tpu.memref_slice %arg15[%mul3A_277] : memref<1600xi32, #tpu.memory_space<vmem>> -> memref<80xi32, #tpu.memory_space<vmem>>
          %dma_start3A_292 = arith.constant 0 : i32
          %dma_start3A_293 = tpu.memref_slice %arg12[%dma_start3A_292] : memref<100000xf32, #tpu.memory_space<vmem_shared>> -> memref<100000xf32, #tpu.memory_space<vmem_shared>>
          tpu.enqueue_indirect_dma source(%dma_start3A_293 : memref<100000xf32, #tpu.memory_space<vmem_shared>>) target(%dma_start3A_290 : memref<80xf32, #tpu.memory_space<vmem>>) offsets(%dma_start3A_291 : memref<80xi32, #tpu.memory_space<vmem>>) semaphore(%arg27 : memref<!tpu.dma_semaphore, #tpu.memory_space<semaphore_mem>>)
          %dma_start3A_294 = tpu.memref_slice %arg21[%mul3A_277] : memref<1600xf32, #tpu.memory_space<vmem>> -> memref<80xf32, #tpu.memory_space<vmem>>
          %dma_start3A_295 = tpu.memref_slice %arg14[%mul3A_277] : memref<1600xi32, #tpu.memory_space<vmem>> -> memref<80xi32, #tpu.memory_space<vmem>>
          %dma_start3A_296 = arith.constant 0 : i32
          %dma_start3A_297 = tpu.memref_slice %arg13[%dma_start3A_296] : memref<100000xf32, #tpu.memory_space<vmem_shared>> -> memref<100000xf32, #tpu.memory_space<vmem_shared>>
          tpu.enqueue_indirect_dma source(%dma_start3A_297 : memref<100000xf32, #tpu.memory_space<vmem_shared>>) target(%dma_start3A_294 : memref<80xf32, #tpu.memory_space<vmem>>) offsets(%dma_start3A_295 : memref<80xi32, #tpu.memory_space<vmem>>) semaphore(%arg27 : memref<!tpu.dma_semaphore, #tpu.memory_space<semaphore_mem>>)
          %dma_start3A_298 = tpu.memref_slice %arg24[%mul3A_277] : memref<1600xf32, #tpu.memory_space<vmem>> -> memref<80xf32, #tpu.memory_space<vmem>>
          %dma_start3A_299 = tpu.memref_slice %arg15[%mul3A_277] : memref<1600xi32, #tpu.memory_space<vmem>> -> memref<80xi32, #tpu.memory_space<vmem>>
          %dma_start3A_300 = arith.constant 0 : i32
          %dma_start3A_301 = tpu.memref_slice %arg13[%dma_start3A_300] : memref<100000xf32, #tpu.memory_space<vmem_shared>> -> memref<100000xf32, #tpu.memory_space<vmem_shared>>
          tpu.enqueue_indirect_dma source(%dma_start3A_301 : memref<100000xf32, #tpu.memory_space<vmem_shared>>) target(%dma_start3A_298 : memref<80xf32, #tpu.memory_space<vmem>>) offsets(%dma_start3A_299 : memref<80xi32, #tpu.memory_space<vmem>>) semaphore(%arg27 : memref<!tpu.dma_semaphore, #tpu.memory_space<semaphore_mem>>)
        }
        %scan3A_274 = arith.constant 20 : i32
      } else {
      }
      %dma_wait3A_223 = arith.constant 0 : i32
      %dma_wait3A_224 = tpu.memref_slice %arg10[%dma_wait3A_223] : memref<6400000xf32, #tpu.memory_space<hbm>> -> memref<1600xf32, #tpu.memory_space<hbm>>
      %dma_wait3A_225 = arith.constant 0 : i32
      %dma_wait3A_226 = tpu.memref_slice %arg10[%dma_wait3A_225] : memref<6400000xf32, #tpu.memory_space<hbm>> -> memref<1600xf32, #tpu.memory_space<hbm>>
      tpu.wait_dma2 semaphore(%arg43 : memref<!tpu.dma_semaphore, #tpu.memory_space<semaphore_mem>>) src(%dma_wait3A_226 : memref<1600xf32, #tpu.memory_space<hbm>>) dst(%arg40 : memref<1600xf32, #tpu.memory_space<vmem>>)
      %add3A_227 = arith.constant 1 : i32
      %add3A_228 = arith.addi %mul3A_118, %add3A_227 : i32
      %scan3A_229 = arith.constant 0 : i32
      %scan3A_230 = arith.constant 0 : i32
      %scan3A_231 = arith.constant 100 : i32
      %scan3A_232 = arith.addi %scan3A_230, %scan3A_231 : i32
      %scan3A_233 = arith.constant 1 : i32
      scf.for %scan3A_249 = %scan3A_230 to %scan3A_232 step %scan3A_233  : i32 {
        %mul3A_250 = arith.constant 16 : i32
        %mul3A_251 = arith.muli %scan3A_249, %mul3A_250 : i32
        %get3A = arith.index_cast %mul3A_251 : i32 to index
        %get3A_252 = tpu.vector_load %arg34[%get3A] {strides = array<i32>} : memref<1600xf32, #tpu.memory_space<vmem>>, vector<16xf32>,
        %get3A_253 = arith.index_cast %mul3A_251 : i32 to index
        %get3A_254 = tpu.vector_load %arg37[%get3A_253] {strides = array<i32>} : memref<1600xf32, #tpu.memory_space<vmem>>, vector<16xf32>,
        %sub3A = arith.subf %get3A_252, %get3A_254 : vector<16xf32>
        %get3A_255 = arith.index_cast %mul3A_251 : i32 to index
        %get3A_256 = tpu.vector_load %arg31[%get3A_255] {strides = array<i32>} : memref<1600xf32, #tpu.memory_space<vmem>>, vector<16xf32>,
        %sub3A_257 = arith.subf %sub3A, %get3A_256 : vector<16xf32>
        %get3A_258 = arith.index_cast %mul3A_251 : i32 to index
        %get3A_259 = tpu.vector_load %arg35[%get3A_258] {strides = array<i32>} : memref<1600xf32, #tpu.memory_space<vmem>>, vector<16xf32>,
        %get3A_260 = arith.index_cast %mul3A_251 : i32 to index
        %get3A_261 = tpu.vector_load %arg38[%get3A_260] {strides = array<i32>} : memref<1600xf32, #tpu.memory_space<vmem>>, vector<16xf32>,
        %sub3A_262 = arith.subf %get3A_259, %get3A_261 : vector<16xf32>
        %get3A_263 = arith.index_cast %mul3A_251 : i32 to index
        %get3A_264 = tpu.vector_load %arg32[%get3A_263] {strides = array<i32>} : memref<1600xf32, #tpu.memory_space<vmem>>, vector<16xf32>,
        %sub3A_265 = arith.subf %sub3A_262, %get3A_264 : vector<16xf32>
        %get3A_266 = arith.index_cast %mul3A_251 : i32 to index
        %get3A_267 = tpu.vector_load %arg36[%get3A_266] {strides = array<i32>} : memref<1600xf32, #tpu.memory_space<vmem>>, vector<16xf32>,
        %get3A_268 = arith.index_cast %mul3A_251 : i32 to index
        %get3A_269 = tpu.vector_load %arg39[%get3A_268] {strides = array<i32>} : memref<1600xf32, #tpu.memory_space<vmem>>, vector<16xf32>,
        %sub3A_270 = arith.subf %get3A_267, %get3A_269 : vector<16xf32>
        %get3A_271 = arith.index_cast %mul3A_251 : i32 to index
        %get3A_272 = tpu.vector_load %arg33[%get3A_271] {strides = array<i32>} : memref<1600xf32, #tpu.memory_space<vmem>>, vector<16xf32>,
        %sub3A_273 = arith.subf %sub3A_270, %get3A_272 : vector<16xf32>
        %mul3A_274 = arith.mulf %sub3A_257, %sub3A_257 : vector<16xf32>
        %mul3A_275 = arith.mulf %sub3A_265, %sub3A_265 : vector<16xf32>
        %add3A_276 = arith.addf %mul3A_274, %mul3A_275 : vector<16xf32>
        %mul3A_277 = arith.mulf %sub3A_273, %sub3A_273 : vector<16xf32>
        %add3A_278 = arith.addf %add3A_276, %mul3A_277 : vector<16xf32>
        %max3A = arith.constant 0.000000e+00 : f32
        %max3A_279 = vector.broadcast %max3A : f32 to vector<16xf32>
        %max3A_280 = arith.maximumf %add3A_278, %max3A_279 : vector<16xf32>
        %bitcast3A = vector.bitcast %max3A_280 : vector<16xf32> to vector<16xi32>
        %shift_right_arithmetic3A = arith.constant 1 : i32
        %shift_right_arithmetic3A_281 = vector.broadcast %shift_right_arithmetic3A : i32 to vector<16xi32>
        %shift_right_arithmetic3A_282 = arith.shrsi %bitcast3A, %shift_right_arithmetic3A_281 : vector<16xi32>
        %sub3A_283 = arith.constant 1597463007 : i32
        %sub3A_284 = vector.broadcast %sub3A_283 : i32 to vector<16xi32>
        %sub3A_285 = arith.subi %sub3A_284, %shift_right_arithmetic3A_282 : vector<16xi32>
        %bitcast3A_286 = vector.bitcast %sub3A_285 : vector<16xi32> to vector<16xf32>
        %mul3A_287 = arith.constant 5.000000e-01 : f32
        %mul3A_288 = vector.broadcast %mul3A_287 : f32 to vector<16xf32>
        %mul3A_289 = arith.mulf %mul3A_288, %max3A_280 : vector<16xf32>
        %mul3A_290 = arith.mulf %mul3A_289, %bitcast3A_286 : vector<16xf32>
        %mul3A_291 = arith.mulf %mul3A_290, %bitcast3A_286 : vector<16xf32>
        %sub3A_292 = arith.constant 1.500000e+00 : f32
        %sub3A_293 = vector.broadcast %sub3A_292 : f32 to vector<16xf32>
        %sub3A_294 = arith.subf %sub3A_293, %mul3A_291 : vector<16xf32>
        %mul3A_295 = arith.mulf %bitcast3A_286, %sub3A_294 : vector<16xf32>
        %mul3A_296 = arith.mulf %mul3A_289, %mul3A_295 : vector<16xf32>
        %mul3A_297 = arith.mulf %mul3A_296, %mul3A_295 : vector<16xf32>
        %sub3A_298 = arith.constant 1.500000e+00 : f32
        %sub3A_299 = vector.broadcast %sub3A_298 : f32 to vector<16xf32>
        %sub3A_300 = arith.subf %sub3A_299, %mul3A_297 : vector<16xf32>
        %mul3A_301 = arith.mulf %mul3A_295, %sub3A_300 : vector<16xf32>
        %mul3A_302 = arith.mulf %max3A_280, %mul3A_301 : vector<16xf32>
        %swap3A = arith.index_cast %mul3A_251 : i32 to index
        %swap3A_303 = tpu.vector_load %arg40[%swap3A] {strides = array<i32>} : memref<1600xf32, #tpu.memory_space<vmem>>, vector<16xf32>,
        tpu.vector_store %arg40[%swap3A], %mul3A_302 {strides = array<i32>} : memref<1600xf32, #tpu.memory_space<vmem>>, vector<16xf32>,
      }
      %scan3A_234 = arith.constant 100 : i32
      %mul3A_235 = arith.constant 200000 : i32
      %mul3A_236 = arith.muli %add3A, %mul3A_235 : i32
      %mul3A_237 = arith.constant 1600 : i32
      %mul3A_238 = arith.muli %add3A_228, %mul3A_237 : i32
      %add3A_239 = arith.addi %mul3A_236, %mul3A_238 : i32
      %dma_start3A_240 = tpu.memref_slice %arg10[%add3A_239] : memref<6400000xf32, #tpu.memory_space<hbm>> -> memref<1600xf32, #tpu.memory_space<hbm>>
      %dma_start3A_241 = tpu.memref_slice %arg10[%add3A_239] : memref<6400000xf32, #tpu.memory_space<hbm>> -> memref<1600xf32, #tpu.memory_space<hbm>>
      tpu.enqueue_dma source(%arg40 : memref<1600xf32, #tpu.memory_space<vmem>>) target(%dma_start3A_241 : memref<1600xf32, #tpu.memory_space<hbm>>) target_semaphore(%arg43 : memref<!tpu.dma_semaphore, #tpu.memory_space<semaphore_mem>>)
      %add3A_242 = arith.constant 3 : i32
      %add3A_243 = arith.addi %mul3A_118, %add3A_242 : i32
      %lt3A_244 = arith.constant 125 : i32
      %lt3A_245 = arith.cmpi slt, %add3A_243, %lt3A_244 : i32
      %convert_element_type3A_246 = arith.extui %lt3A_245 : i1 to i32
      %cond3A_247 = arith.constant 0 : i32
      %cond3A_248 = arith.cmpi ne, %convert_element_type3A_246, %cond3A_247 : i32
      scf.if %cond3A_248 {
        %mul3A_249 = arith.constant 200000 : i32
        %mul3A_250 = arith.muli %add3A, %mul3A_249 : i32
        %mul3A_251 = arith.constant 1600 : i32
        %mul3A_252 = arith.muli %add3A_243, %mul3A_251 : i32
        %add3A_253 = arith.addi %mul3A_250, %mul3A_252 : i32
        %dma_start3A_254 = tpu.memref_slice %arg5[%add3A_253] : memref<6400000xi32, #tpu.memory_space<hbm>> -> memref<1600xi32, #tpu.memory_space<hbm>>
        %dma_start3A_255 = tpu.memref_slice %arg5[%add3A_253] : memref<6400000xi32, #tpu.memory_space<hbm>> -> memref<1600xi32, #tpu.memory_space<hbm>>
        tpu.enqueue_dma source(%dma_start3A_255 : memref<1600xi32, #tpu.memory_space<hbm>>) target(%arg29 : memref<1600xi32, #tpu.memory_space<vmem>>) target_semaphore(%arg41 : memref<!tpu.dma_semaphore, #tpu.memory_space<semaphore_mem>>)
        %dma_start3A_256 = tpu.memref_slice %arg6[%add3A_253] : memref<6400000xi32, #tpu.memory_space<hbm>> -> memref<1600xi32, #tpu.memory_space<hbm>>
        %dma_start3A_257 = tpu.memref_slice %arg6[%add3A_253] : memref<6400000xi32, #tpu.memory_space<hbm>> -> memref<1600xi32, #tpu.memory_space<hbm>>
        tpu.enqueue_dma source(%dma_start3A_257 : memref<1600xi32, #tpu.memory_space<hbm>>) target(%arg30 : memref<1600xi32, #tpu.memory_space<vmem>>) target_semaphore(%arg41 : memref<!tpu.dma_semaphore, #tpu.memory_space<semaphore_mem>>)
        %dma_start3A_258 = tpu.memref_slice %arg7[%add3A_253] : memref<6400000xf32, #tpu.memory_space<hbm>> -> memref<1600xf32, #tpu.memory_space<hbm>>
        %dma_start3A_259 = tpu.memref_slice %arg7[%add3A_253] : memref<6400000xf32, #tpu.memory_space<hbm>> -> memref<1600xf32, #tpu.memory_space<hbm>>
        tpu.enqueue_dma source(%dma_start3A_259 : memref<1600xf32, #tpu.memory_space<hbm>>) target(%arg31 : memref<1600xf32, #tpu.memory_space<vmem>>) target_semaphore(%arg41 : memref<!tpu.dma_semaphore, #tpu.memory_space<semaphore_mem>>)
        %dma_start3A_260 = tpu.memref_slice %arg8[%add3A_253] : memref<6400000xf32, #tpu.memory_space<hbm>> -> memref<1600xf32, #tpu.memory_space<hbm>>
        %dma_start3A_261 = tpu.memref_slice %arg8[%add3A_253] : memref<6400000xf32, #tpu.memory_space<hbm>> -> memref<1600xf32, #tpu.memory_space<hbm>>
        tpu.enqueue_dma source(%dma_start3A_261 : memref<1600xf32, #tpu.memory_space<hbm>>) target(%arg32 : memref<1600xf32, #tpu.memory_space<vmem>>) target_semaphore(%arg41 : memref<!tpu.dma_semaphore, #tpu.memory_space<semaphore_mem>>)
        %dma_start3A_262 = tpu.memref_slice %arg9[%add3A_253] : memref<6400000xf32, #tpu.memory_space<hbm>> -> memref<1600xf32, #tpu.memory_space<hbm>>
        %dma_start3A_263 = tpu.memref_slice %arg9[%add3A_253] : memref<6400000xf32, #tpu.memory_space<hbm>> -> memref<1600xf32, #tpu.memory_space<hbm>>
        tpu.enqueue_dma source(%dma_start3A_263 : memref<1600xf32, #tpu.memory_space<hbm>>) target(%arg33 : memref<1600xf32, #tpu.memory_space<vmem>>) target_semaphore(%arg41 : memref<!tpu.dma_semaphore, #tpu.memory_space<semaphore_mem>>)
      } else {
      }
    }
    %scan3A_67 = arith.constant 62 : i32
    %dma_wait3A_68 = arith.constant 0 : i32
    %dma_wait3A_69 = tpu.memref_slice %arg2[%dma_wait3A_68] : memref<100000xf32, #tpu.memory_space<hbm>> -> memref<1600xf32, #tpu.memory_space<hbm>>
    %dma_wait3A_70 = arith.constant 0 : i32
    %dma_wait3A_71 = tpu.memref_slice %arg2[%dma_wait3A_70] : memref<100000xf32, #tpu.memory_space<hbm>> -> memref<1600xf32, #tpu.memory_space<hbm>>
    tpu.wait_dma2 semaphore(%arg27 : memref<!tpu.dma_semaphore, #tpu.memory_space<semaphore_mem>>) src(%dma_wait3A_71 : memref<1600xf32, #tpu.memory_space<hbm>>) dst(%arg19 : memref<1600xf32, #tpu.memory_space<vmem>>)
    %dma_wait3A_72 = arith.constant 0 : i32
    %dma_wait3A_73 = tpu.memref_slice %arg2[%dma_wait3A_72] : memref<100000xf32, #tpu.memory_space<hbm>> -> memref<1600xf32, #tpu.memory_space<hbm>>
    %dma_wait3A_74 = arith.constant 0 : i32
    %dma_wait3A_75 = tpu.memref_slice %arg2[%dma_wait3A_74] : memref<100000xf32, #tpu.memory_space<hbm>> -> memref<1600xf32, #tpu.memory_space<hbm>>
    tpu.wait_dma2 semaphore(%arg27 : memref<!tpu.dma_semaphore, #tpu.memory_space<semaphore_mem>>) src(%dma_wait3A_75 : memref<1600xf32, #tpu.memory_space<hbm>>) dst(%arg20 : memref<1600xf32, #tpu.memory_space<vmem>>)
    %dma_wait3A_76 = arith.constant 0 : i32
    %dma_wait3A_77 = tpu.memref_slice %arg2[%dma_wait3A_76] : memref<100000xf32, #tpu.memory_space<hbm>> -> memref<1600xf32, #tpu.memory_space<hbm>>
    %dma_wait3A_78 = arith.constant 0 : i32
    %dma_wait3A_79 = tpu.memref_slice %arg2[%dma_wait3A_78] : memref<100000xf32, #tpu.memory_space<hbm>> -> memref<1600xf32, #tpu.memory_space<hbm>>
    tpu.wait_dma2 semaphore(%arg27 : memref<!tpu.dma_semaphore, #tpu.memory_space<semaphore_mem>>) src(%dma_wait3A_79 : memref<1600xf32, #tpu.memory_space<hbm>>) dst(%arg21 : memref<1600xf32, #tpu.memory_space<vmem>>)
    %dma_wait3A_80 = arith.constant 0 : i32
    %dma_wait3A_81 = tpu.memref_slice %arg2[%dma_wait3A_80] : memref<100000xf32, #tpu.memory_space<hbm>> -> memref<1600xf32, #tpu.memory_space<hbm>>
    %dma_wait3A_82 = arith.constant 0 : i32
    %dma_wait3A_83 = tpu.memref_slice %arg2[%dma_wait3A_82] : memref<100000xf32, #tpu.memory_space<hbm>> -> memref<1600xf32, #tpu.memory_space<hbm>>
    tpu.wait_dma2 semaphore(%arg27 : memref<!tpu.dma_semaphore, #tpu.memory_space<semaphore_mem>>) src(%dma_wait3A_83 : memref<1600xf32, #tpu.memory_space<hbm>>) dst(%arg22 : memref<1600xf32, #tpu.memory_space<vmem>>)
    %dma_wait3A_84 = arith.constant 0 : i32
    %dma_wait3A_85 = tpu.memref_slice %arg2[%dma_wait3A_84] : memref<100000xf32, #tpu.memory_space<hbm>> -> memref<1600xf32, #tpu.memory_space<hbm>>
    %dma_wait3A_86 = arith.constant 0 : i32
    %dma_wait3A_87 = tpu.memref_slice %arg2[%dma_wait3A_86] : memref<100000xf32, #tpu.memory_space<hbm>> -> memref<1600xf32, #tpu.memory_space<hbm>>
    tpu.wait_dma2 semaphore(%arg27 : memref<!tpu.dma_semaphore, #tpu.memory_space<semaphore_mem>>) src(%dma_wait3A_87 : memref<1600xf32, #tpu.memory_space<hbm>>) dst(%arg23 : memref<1600xf32, #tpu.memory_space<vmem>>)
    %dma_wait3A_88 = arith.constant 0 : i32
    %dma_wait3A_89 = tpu.memref_slice %arg2[%dma_wait3A_88] : memref<100000xf32, #tpu.memory_space<hbm>> -> memref<1600xf32, #tpu.memory_space<hbm>>
    %dma_wait3A_90 = arith.constant 0 : i32
    %dma_wait3A_91 = tpu.memref_slice %arg2[%dma_wait3A_90] : memref<100000xf32, #tpu.memory_space<hbm>> -> memref<1600xf32, #tpu.memory_space<hbm>>
    tpu.wait_dma2 semaphore(%arg27 : memref<!tpu.dma_semaphore, #tpu.memory_space<semaphore_mem>>) src(%dma_wait3A_91 : memref<1600xf32, #tpu.memory_space<hbm>>) dst(%arg24 : memref<1600xf32, #tpu.memory_space<vmem>>)
    %dma_wait3A_92 = arith.constant 0 : i32
    %dma_wait3A_93 = tpu.memref_slice %arg10[%dma_wait3A_92] : memref<6400000xf32, #tpu.memory_space<hbm>> -> memref<1600xf32, #tpu.memory_space<hbm>>
    %dma_wait3A_94 = arith.constant 0 : i32
    %dma_wait3A_95 = tpu.memref_slice %arg10[%dma_wait3A_94] : memref<6400000xf32, #tpu.memory_space<hbm>> -> memref<1600xf32, #tpu.memory_space<hbm>>
    tpu.wait_dma2 semaphore(%arg28 : memref<!tpu.dma_semaphore, #tpu.memory_space<semaphore_mem>>) src(%dma_wait3A_95 : memref<1600xf32, #tpu.memory_space<hbm>>) dst(%arg25 : memref<1600xf32, #tpu.memory_space<vmem>>)
    %scan3A_96 = arith.constant 0 : i32
    %scan3A_97 = arith.constant 0 : i32
    %scan3A_98 = arith.constant 100 : i32
    %scan3A_99 = arith.addi %scan3A_97, %scan3A_98 : i32
    %scan3A_100 = arith.constant 1 : i32
    scf.for %scan3A_116 = %scan3A_97 to %scan3A_99 step %scan3A_100  : i32 {
      %mul3A_117 = arith.constant 16 : i32
      %mul3A_118 = arith.muli %scan3A_116, %mul3A_117 : i32
      %get3A = arith.index_cast %mul3A_118 : i32 to index
      %get3A_119 = tpu.vector_load %arg19[%get3A] {strides = array<i32>} : memref<1600xf32, #tpu.memory_space<vmem>>, vector<16xf32>,
      %get3A_120 = arith.index_cast %mul3A_118 : i32 to index
      %get3A_121 = tpu.vector_load %arg22[%get3A_120] {strides = array<i32>} : memref<1600xf32, #tpu.memory_space<vmem>>, vector<16xf32>,
      %sub3A = arith.subf %get3A_119, %get3A_121 : vector<16xf32>
      %get3A_122 = arith.index_cast %mul3A_118 : i32 to index
      %get3A_123 = tpu.vector_load %arg16[%get3A_122] {strides = array<i32>} : memref<1600xf32, #tpu.memory_space<vmem>>, vector<16xf32>,
      %sub3A_124 = arith.subf %sub3A, %get3A_123 : vector<16xf32>
      %get3A_125 = arith.index_cast %mul3A_118 : i32 to index
      %get3A_126 = tpu.vector_load %arg20[%get3A_125] {strides = array<i32>} : memref<1600xf32, #tpu.memory_space<vmem>>, vector<16xf32>,
      %get3A_127 = arith.index_cast %mul3A_118 : i32 to index
      %get3A_128 = tpu.vector_load %arg23[%get3A_127] {strides = array<i32>} : memref<1600xf32, #tpu.memory_space<vmem>>, vector<16xf32>,
      %sub3A_129 = arith.subf %get3A_126, %get3A_128 : vector<16xf32>
      %get3A_130 = arith.index_cast %mul3A_118 : i32 to index
      %get3A_131 = tpu.vector_load %arg17[%get3A_130] {strides = array<i32>} : memref<1600xf32, #tpu.memory_space<vmem>>, vector<16xf32>,
      %sub3A_132 = arith.subf %sub3A_129, %get3A_131 : vector<16xf32>
      %get3A_133 = arith.index_cast %mul3A_118 : i32 to index
      %get3A_134 = tpu.vector_load %arg21[%get3A_133] {strides = array<i32>} : memref<1600xf32, #tpu.memory_space<vmem>>, vector<16xf32>,
      %get3A_135 = arith.index_cast %mul3A_118 : i32 to index
      %get3A_136 = tpu.vector_load %arg24[%get3A_135] {strides = array<i32>} : memref<1600xf32, #tpu.memory_space<vmem>>, vector<16xf32>,
      %sub3A_137 = arith.subf %get3A_134, %get3A_136 : vector<16xf32>
      %get3A_138 = arith.index_cast %mul3A_118 : i32 to index
      %get3A_139 = tpu.vector_load %arg18[%get3A_138] {strides = array<i32>} : memref<1600xf32, #tpu.memory_space<vmem>>, vector<16xf32>,
      %sub3A_140 = arith.subf %sub3A_137, %get3A_139 : vector<16xf32>
      %mul3A_141 = arith.mulf %sub3A_124, %sub3A_124 : vector<16xf32>
      %mul3A_142 = arith.mulf %sub3A_132, %sub3A_132 : vector<16xf32>
      %add3A_143 = arith.addf %mul3A_141, %mul3A_142 : vector<16xf32>
      %mul3A_144 = arith.mulf %sub3A_140, %sub3A_140 : vector<16xf32>
      %add3A_145 = arith.addf %add3A_143, %mul3A_144 : vector<16xf32>
      %max3A = arith.constant 0.000000e+00 : f32
      %max3A_146 = vector.broadcast %max3A : f32 to vector<16xf32>
      %max3A_147 = arith.maximumf %add3A_145, %max3A_146 : vector<16xf32>
      %bitcast3A = vector.bitcast %max3A_147 : vector<16xf32> to vector<16xi32>
      %shift_right_arithmetic3A = arith.constant 1 : i32
      %shift_right_arithmetic3A_148 = vector.broadcast %shift_right_arithmetic3A : i32 to vector<16xi32>
      %shift_right_arithmetic3A_149 = arith.shrsi %bitcast3A, %shift_right_arithmetic3A_148 : vector<16xi32>
      %sub3A_150 = arith.constant 1597463007 : i32
      %sub3A_151 = vector.broadcast %sub3A_150 : i32 to vector<16xi32>
      %sub3A_152 = arith.subi %sub3A_151, %shift_right_arithmetic3A_149 : vector<16xi32>
      %bitcast3A_153 = vector.bitcast %sub3A_152 : vector<16xi32> to vector<16xf32>
      %mul3A_154 = arith.constant 5.000000e-01 : f32
      %mul3A_155 = vector.broadcast %mul3A_154 : f32 to vector<16xf32>
      %mul3A_156 = arith.mulf %mul3A_155, %max3A_147 : vector<16xf32>
      %mul3A_157 = arith.mulf %mul3A_156, %bitcast3A_153 : vector<16xf32>
      %mul3A_158 = arith.mulf %mul3A_157, %bitcast3A_153 : vector<16xf32>
      %sub3A_159 = arith.constant 1.500000e+00 : f32
      %sub3A_160 = vector.broadcast %sub3A_159 : f32 to vector<16xf32>
      %sub3A_161 = arith.subf %sub3A_160, %mul3A_158 : vector<16xf32>
      %mul3A_162 = arith.mulf %bitcast3A_153, %sub3A_161 : vector<16xf32>
      %mul3A_163 = arith.mulf %mul3A_156, %mul3A_162 : vector<16xf32>
      %mul3A_164 = arith.mulf %mul3A_163, %mul3A_162 : vector<16xf32>
      %sub3A_165 = arith.constant 1.500000e+00 : f32
      %sub3A_166 = vector.broadcast %sub3A_165 : f32 to vector<16xf32>
      %sub3A_167 = arith.subf %sub3A_166, %mul3A_164 : vector<16xf32>
      %mul3A_168 = arith.mulf %mul3A_162, %sub3A_167 : vector<16xf32>
      %mul3A_169 = arith.mulf %max3A_147, %mul3A_168 : vector<16xf32>
      %swap3A = arith.index_cast %mul3A_118 : i32 to index
      %swap3A_170 = tpu.vector_load %arg25[%swap3A] {strides = array<i32>} : memref<1600xf32, #tpu.memory_space<vmem>>, vector<16xf32>,
      tpu.vector_store %arg25[%swap3A], %mul3A_169 {strides = array<i32>} : memref<1600xf32, #tpu.memory_space<vmem>>, vector<16xf32>,
    }
    %scan3A_101 = arith.constant 100 : i32
    %mul3A_102 = arith.constant 200000 : i32
    %mul3A_103 = arith.muli %add3A, %mul3A_102 : i32
    %add3A_104 = arith.constant 198400 : i32
    %add3A_105 = arith.addi %mul3A_103, %add3A_104 : i32
    %dma_start3A_106 = tpu.memref_slice %arg10[%add3A_105] : memref<6400000xf32, #tpu.memory_space<hbm>> -> memref<1600xf32, #tpu.memory_space<hbm>>
    %dma_start3A_107 = tpu.memref_slice %arg10[%add3A_105] : memref<6400000xf32, #tpu.memory_space<hbm>> -> memref<1600xf32, #tpu.memory_space<hbm>>
    tpu.enqueue_dma source(%arg25 : memref<1600xf32, #tpu.memory_space<vmem>>) target(%dma_start3A_107 : memref<1600xf32, #tpu.memory_space<hbm>>) target_semaphore(%arg28 : memref<!tpu.dma_semaphore, #tpu.memory_space<semaphore_mem>>)
    %dma_wait3A_108 = arith.constant 0 : i32
    %dma_wait3A_109 = tpu.memref_slice %arg10[%dma_wait3A_108] : memref<6400000xf32, #tpu.memory_space<hbm>> -> memref<1600xf32, #tpu.memory_space<hbm>>
    %dma_wait3A_110 = arith.constant 0 : i32
    %dma_wait3A_111 = tpu.memref_slice %arg10[%dma_wait3A_110] : memref<6400000xf32, #tpu.memory_space<hbm>> -> memref<1600xf32, #tpu.memory_space<hbm>>
    tpu.wait_dma2 semaphore(%arg28 : memref<!tpu.dma_semaphore, #tpu.memory_space<semaphore_mem>>) src(%dma_wait3A_111 : memref<1600xf32, #tpu.memory_space<hbm>>) dst(%arg25 : memref<1600xf32, #tpu.memory_space<vmem>>)
    %dma_wait3A_112 = arith.constant 0 : i32
    %dma_wait3A_113 = tpu.memref_slice %arg10[%dma_wait3A_112] : memref<6400000xf32, #tpu.memory_space<hbm>> -> memref<1600xf32, #tpu.memory_space<hbm>>
    %dma_wait3A_114 = arith.constant 0 : i32
    %dma_wait3A_115 = tpu.memref_slice %arg10[%dma_wait3A_114] : memref<6400000xf32, #tpu.memory_space<hbm>> -> memref<1600xf32, #tpu.memory_space<hbm>>
    tpu.wait_dma2 semaphore(%arg43 : memref<!tpu.dma_semaphore, #tpu.memory_space<semaphore_mem>>) src(%dma_wait3A_115 : memref<1600xf32, #tpu.memory_space<hbm>>) dst(%arg40 : memref<1600xf32, #tpu.memory_space<vmem>>)
    return
  }
}

</mosaic_0001>

<sc_bundles>
// kernel: kernel.3.cloned.1.call-start
scs
__scs_entry_jumppad:
0x0: {  	(pc) =	sbr.rel $0x88, $3  }
0x1: {  	(tag) =	ssettag $0x0;
	lr =	simm.s32 $0x1  }
0x2: {  	[smem:$0x3F9D] =	sst lr;
	_ =	strace $0xD0000000  }
0x3: {  	_ = 	snop  }
0x4: {  	_ = 	snop  }
0x5: {  	_ = 	snop  }
0x6: {  	_ = 	snop  }
0x7: {  	_ = 	snop  }
__scs_overlays_trampoline_lowered:
0x8: {  	[smem:$0x3FAC] =	sst s0  }
0x9: {  	[smem:$0x3FAD] =	sst s1  }
0xa: {  	[smem:$0x3FAE] =	sst s2  }
0xb: {  	[smem:$0x3FAF] =	sst s3  }
0xc: {  	[smem:$0x3FB0] =	sst s4  }
0xd: {  	[smem:$0x3FB1] =	sst s5  }
0xe: {  	[smem:$0x3FB2] =	sst s6  }
0xf: {  	[smem:$0x3FB3] =	sst s7  }
0x10: {  	[smem:$0x3FB4] =	sst s8  }
0x11: {  	[smem:$0x3FB5] =	sst s9;
	s0 =	simm.s32 @!p0 $0x0  }
0x12: {  	s1 =	sld [smem:$0x3F9B];
	s0 =	simm.s32 @p0 $0x1  }
0x13: {  	[smem:$0x3FB6] =	sst s0;
	s0 =	simm.s32 @!p1 $0x0  }
0x14: {  	s2 =	sld [smem:$0x3F9A];
	s0 =	simm.s32 @p1 $0x1  }
0x15: {  	[smem:$0x3FB7] =	sst s0;
	s0 =	simm.s32 @!p2 $0x0  }
0x16: {  	s3 =	sld [smem:$0x3FDB];
	s0 =	simm.s32 @p2 $0x1  }
0x17: {  	s4 =	simm.s32 $0x1BF5;
	[smem:$0x3FB9] =	sst s0  }
0x18: {  	s0 =	sld [smem:$0x3F9C];
	_ =	swait.ge [sflag:s4], $0x0  }
0x19: {  	s7 =	sld [smem:$0x3F9D]  }
0x1a: {  	s8 =	sadd.s32 $0xFFFFE003, lr  }
0x1b: {  	s9 =	sadd.s32 $0xFFFFFEF7, lr;
	s5 =	simm.s32 $0xFFFFFFFF;
	p2 =	slt.u32 s8, $0xFFFFF086  }
0x1c: {  	p1 =	slt.u32 s9, $0xF7A;
	s5 =	simm.s32 @!p2 $0x0  }
0x1d: {  	s5 =	simm.s32 @p1 $0x1;
	p0 =	seq.s32 s7, s2  }
0x1e: {  	s7 =	smul.u32 @!p0 $0xF7A, s2;
	p2 =	seq.s32 @!p0 s5, $0x0  }
0x1f: {  	s9 =	smul.u32 $0xF7A, s1;
	s8 =	simm.s32 @!p0 $0x1BF5;
	p2 =	por !p2, p0  }
0x20: {  	[sflag:s8] =	ssyncset.s32 @!p0 $0xFFFFF086;
	s6 =	sadd.s32 @!p0 s3, s7;
	s7 =	simm.s32 @!p0 $0x108  }
0x21: {  	s3 =	sadd.s32 s3, s9;
	s6 =	sadd.s32 @!p0 $0x88, s6;
	s7 =	simm.s32 @p2 $0x1082  }
0x22: {  	[simem:s7], [sflag:s8] =	dma.local @!p0 [hbm:s6], $0xF7A  }
0x23: {  	s9 =	sor.u32 $0xD0000000, s2;
	s6 =	simm.s32 $0x108;
	_ =	swait.ge @!p0 [sflag:s8], $0x0  }
0x24: {  	s3 =	sadd.s32 $0x88, s3;
	s6 =	simm.s32 @!p1 $0x1082;
	[sflag:s4] =	ssyncset.s32 $0xFFFFF086  }
0x25: {  	[simem:s6], [sflag:s4] =	dma.local [hbm:s3], $0xF7A  }
0x26: {  	[smem:$0x3F9D] =	sst s1;
	(tag) =	ssettag s2;
	_ =	strace s9  }
0x27: {  	s1 =	sld [smem:$0x3FAD]  }
0x28: {  	s2 =	sld [smem:$0x3FAE]  }
0x29: {  	s4 =	sld [smem:$0x3FB0]  }
0x2a: {  	p0 =	seq.s32 s5, $0x0;
	s5 =	sld [smem:$0x3FB1]  }
0x2b: {  	s6 =	sld [smem:$0x3FB2]  }
0x2c: {  	s7 =	sld [smem:$0x3FB3]  }
0x2d: {  	s3 =	simm.s32 $0x108;
	s8 =	sld [smem:$0x3FB4]  }
0x2e: {  	s3 =	simm.s32 @!p0 $0x1082;
	s9 =	sld [smem:$0x3FB5]  }
0x2f: {  	lr =	sadd.s32 s0, s3;
	s0 =	sld [smem:$0x3FAC]  }
0x30: {  	s3 =	sld [smem:$0x3FAF]  }
0x31: {  	[smem:$0x3FB8] =	sst s10  }
0x32: {  	s10 =	sld [smem:$0x3FB6];
	_ =	sdelay $0x3  }
0x33: {  	p0 =	seq.s32 s10, $0x1;
	s10 =	sld [smem:$0x3FB8];
	_ =	sdelay $0x3  }
0x34: {  	[smem:$0x3FB8] =	sst s10  }
0x35: {  	s10 =	sld [smem:$0x3FB7];
	_ =	sdelay $0x3  }
0x36: {  	p1 =	seq.s32 s10, $0x1;
	s10 =	sld [smem:$0x3FB8];
	_ =	sdelay $0x3  }
0x37: {  	[smem:$0x3FB8] =	sst s10  }
0x38: {  	s10 =	sld [smem:$0x3FB9]  }
0x39: {  	_ = 	snop;
	(pc) =	sbr.ind lr, $3  }
0x3a: {  	_ = 	snop  }
0x3b: {  	_ = 	snop  }
0x3c: {  	p2 =	seq.s32 s10, $0x1;
	s10 =	sld [smem:$0x3FB8]  }
0x3d: {  	_ =	shalt  }
0x3e: {  	_ =	shalt  }
0x3f: {  	_ =	shalt  }
0x40: {  	_ =	shalt  }
0x41: {  	_ =	shalt  }
0x42: {  	_ =	shalt  }
0x43: {  	_ =	shalt  }
0x44: {  	_ =	shalt  }
0x45: {  	_ =	shalt  }
0x46: {  	_ =	shalt  }
0x47: {  	_ =	shalt  }
0x48: {  	_ =	shalt  }
0x49: {  	_ =	shalt  }
0x4a: {  	_ =	shalt  }
0x4b: {  	_ =	shalt  }
0x4c: {  	_ =	shalt  }
0x4d: {  	_ =	shalt  }
0x4e: {  	_ =	shalt  }
0x4f: {  	_ =	shalt  }
0x50: {  	_ =	shalt  }
0x51: {  	_ =	shalt  }
0x52: {  	_ =	shalt  }
0x53: {  	_ =	shalt  }
0x54: {  	_ =	shalt  }
0x55: {  	_ =	shalt  }
0x56: {  	_ =	shalt  }
0x57: {  	_ =	shalt  }
0x58: {  	_ =	shalt  }
0x59: {  	_ =	shalt  }
0x5a: {  	_ =	shalt  }
0x5b: {  	_ =	shalt  }
0x5c: {  	_ =	shalt  }
0x5d: {  	_ =	shalt  }
0x5e: {  	_ =	shalt  }
0x5f: {  	_ =	shalt  }
0x60: {  	_ =	shalt  }
0x61: {  	_ =	shalt  }
0x62: {  	_ =	shalt  }
0x63: {  	_ =	shalt  }
0x64: {  	_ =	shalt  }
0x65: {  	_ =	shalt  }
0x66: {  	_ =	shalt  }
0x67: {  	_ =	shalt  }
0x68: {  	_ =	shalt  }
0x69: {  	_ =	shalt  }
0x6a: {  	_ =	shalt  }
0x6b: {  	_ =	shalt  }
0x6c: {  	_ =	shalt  }
0x6d: {  	_ =	shalt  }
0x6e: {  	_ =	shalt  }
0x6f: {  	_ =	shalt  }
0x70: {  	_ =	shalt  }
0x71: {  	_ =	shalt  }
0x72: {  	_ =	shalt  }
0x73: {  	_ =	shalt  }
0x74: {  	_ =	shalt  }
0x75: {  	_ =	shalt  }
0x76: {  	_ =	shalt  }
0x77: {  	_ =	shalt  }
0x78: {  	_ =	shalt  }
0x79: {  	_ =	shalt  }
0x7a: {  	_ =	shalt  }
0x7b: {  	_ =	shalt  }
0x7c: {  	_ =	shalt  }
0x7d: {  	_ =	shalt  }
0x7e: {  	_ =	shalt  }
0x7f: {  	_ =	shalt  }
0x80: {  	_ =	shalt  }
0x81: {  	_ =	shalt  }
0x82: {  	_ =	shalt  }
0x83: {  	_ =	shalt  }
0x84: {  	_ =	shalt  }
0x85: {  	_ =	shalt  }
0x86: {  	_ =	shalt  }
0x87: {  	_ =	shalt  }
.Lfunc_end0:
.L_simem_size_0:
called_computation_lowered:
.L_overlay_start_0:
0x88: {  	s2 =	sld [smem:$0x3FD9]  }
0x89: {  	s3 =	sld [smem:$0x3FFE];
	_ =	sdelay $0x1  }
0x8a: {  	s1 =	srdreg.scid  }
0x8b: {  	s0 =	sand.u32 $0x1, s1  }
0x8c: {  	s17 =	sshll.u32 s0, $0xA;
	s2 =	sadd.s32 s3, s2  }
0x8d: {  	s2 =	sadd.s32 s2, s17  }
0x8e: {  	[smem:$0x3FC4] =	sst s2  }
0x8f: {  	_ = 	snop  }
0x90: {  	s2 =	sld [smem:$0x3FC8]  }
0x91: {  	s18 =	sld [smem:$0x3FC7]  }
0x92: {  	s4 =	sld [smem:$0x3FD0];
	(tm) =	ssettm $0x1  }
0x93: {  	s5 =	sld [smem:$0x3FFB];
	_ =	sdelay $0x3  }
0x94: {  	_ =	strace s5  }
0x95: {  	s5 =	sld [smem:$0x3FFC];
	_ =	sdelay $0x3  }
0x96: {  	_ =	strace s5  }
0x97: {  	s5 =	sld [smem:$0x3FFD];
	_ =	sdelay $0x3  }
0x98: {  	_ =	strace s5  }
0x99: {  	_ =	strace $0x8FFFFFFF  }
0x9a: {  	s19 =	sld [smem:$0x3FDB];
	_ =	sdelay $0x1  }
0x9b: {  	s6 =	simm.s32 $_scs_section_size  }
0x9c: {  	s7 =	simm.s32 $_size__tile_overlayer_lowered;
	s8 =	simm.s32 $_tile_overlayer_lowered  }
0x9d: {  	s22 =	simm.s32 $0x1BFF;
	s21 =	sshll.u32 s8, $0x1;
	s5 =	sadd.s32 s6, s19  }
0x9e: {  	s9 =	simm.s32 $0x0;
	s20 =	sshll.u32 s7, $0x1;
	s7 =	sadd.s32 s21, s5  }
0x9f: {  	[timem:s9], [sflag:s22] =	dma.local [hbm:s7], s20  }
0xa0: {  	_ =	swait.ge [sflag:s22], s20  }
0xa1: {  	s6 =	ssub.s32 $0x0, s20;
	[sflag:s22] =	ssyncset.done $0x0  }
0xa2: {  	[sflag:s22] =	ssyncadd.s32 s6;
	_ =	sdelay $0x1  }
0xa3: {  	s23 =	simm.s32 $0x1B8B  }
0xa4: {  	_ =	swait.ge [sflag:s23], $0x1  }
0xa5: {  	[sflag:s23] =	ssyncset.done $0x0  }
0xa6: {  	s25 =	simm.s32 $0x1B8E;
	s24 =	sld [smem:$0x3FFE];
	[sflag:s23] =	ssyncadd.s32 $0xFFFFFFFF  }
0xa7: {  	s26 =	simm.s32 $execute0_lowered;
	[smem:$0x3FD2] =	sst s25  }
0xa8: {  	s7 =	sshll.u32 s26, $0x1;
	_ =	strace $0x80000046;
	[dreg:$0x1] =	wrdreg $0xFFFFFFFF  }
0xa9: {  	s28 =	simm.s32 $_size_execute0_lowered;
	s5 =	sadd.s32 s5, s7;
	[dreg:$0x0] =	wrdreg $0x0  }
0xaa: {  	s7 =	sshll.u32 s28, $0x1;
	[dreg:$0x2] =	wrdreg s5  }
0xab: {  	[dreg:$0x3] =	wrdreg s7  }
0xac: {  	[dreg:$0x4] =	wrdreg $0xC0  }
0xad: {  	_ =	task [dreg:s9], $0x5FFFF  }
0xae: {  	[dreg:$0x1] =	wrdreg $0xFFFFFFFF  }
0xaf: {  	[dreg:$0x0] =	wrdreg $0x60  }
0xb0: {  	[dreg:$0x2] =	wrdreg s24  }
0xb1: {  	[dreg:$0x3] =	wrdreg s2  }
0xb2: {  	[dreg:$0x4] =	wrdreg s18  }
0xb3: {  	[dreg:$0x5] =	wrdreg s4  }
0xb4: {  	[dreg:$0x6] =	wrdreg $0x0  }
0xb5: {  	[dreg:$0x7] =	wrdreg $0x18700  }
0xb6: {  	[dreg:$0x8] =	wrdreg $0x30E00  }
0xb7: {  	[dreg:$0x9] =	wrdreg $0x9  }
0xb8: {  	_ =	task.clear_ibuf [dreg:s9], $0xAFFFF;
	_ =	strace $0x90000046  }
0xb9: {  	s29 =	simm.s32 $0x9;
	_ =	strace $0x80000048  }
0xba: {  	_ =	swait.ge [sflag:s29], $0x1  }
0xbb: {  	[sflag:s29] =	ssyncadd.s32 $0xFFFFFFFF  }
0xbc: {  	_ =	strace $0x90000048  }
0xbd: {  	_ =	sfence  }
0xbe: {  	s30 =	sld [smem:$0x0];
	_ =	sdelay $0x2  }
0xbf: {  	s31 =	sshll.u32 s1, $0xD;
	s1 =	sshrl.u32 s1, $0x2  }
0xc0: {  	s3 =	sand.u32 $0x4000, s31;
	s1 =	sadd.s32 s1, s30  }
0xc1: {  	s0 =	sor.u32 s3, s0;
	s1 =	sshll.u32 s1, $0x11  }
0xc2: {  	s0 =	sor.u32 s1, s0  }
0xc3: {  	s0 =	sadd.s32 $0x8F2B, s0  }
0xc4: {  	[sflag:s0] =	ssyncadd.remote.s32 $0x1  }
0xc5: {  	_ =	sfence.sel $0xFFFF  }
0xc6: {  	[dreg:$0x0] =	wrdreg $0xFFFFFFFF;
	(pc) =	sbr.abs _section_cstart, $3  }
0xc7: {  	[dreg:$0x1] =	wrdreg $0xFFFFFFFF  }
0xc8: {  	_ =	task.clear_ibuf [dreg:s9], $0x2FFFF;
	_ =	strace $0x9FFFFFFF  }
0xc9: {  	(tm) =	ssettm $0x7FFFFFFF  }
tec
execute0_lowered:
.L_overlay_start_1:
0x0: {  	(tag) =	ssettag $0x1  }
0x1: {  	s15 =	rddreg [dreg:$0x0]  }
0x2: {  	s1 =	rddreg [dreg:$0x1]  }
0x3: {  	s2 =	rddreg [dreg:$0x2]  }
0x4: {  	s3 =	rddreg [dreg:$0x3]  }
0x5: {  	s4 =	rddreg [dreg:$0x4]  }
0x6: {  	s5 =	rddreg [dreg:$0x5];
	s0 =	srdreg.scid  }
0x7: {  	s6 =	stileid.u32;
	s7 =	rddreg [dreg:$0x6]  }
0x8: {  	s8 =	simm.s32 $0x0;
	s31 =	simm.s32 $0x8E10;
	s28 =	simm.s32 $0x3  }
0x9: {  	s0 =	sand.u32 $0x1, s0;
	s9 =	sshll.u32 s6, $0x1;
	[smem:$0x7FF] =	sst s8  }
0xa: {  	s10 =	sadd.s32 $0x190200, s15;
	s9 =	sor.u32 s0, s9;
	s0 =	ssub.s32 $0x2, s0  }
0xb: {  	s11 =	sadd.s32 $0xCCC00, s15;
	s9 =	smul.u32 $0x30D40, s9;
	s13 =	sshrl.u32 s0, $0x1  }
0xc: {  	s25 =	sadd.s32 $0x6400, s15;
	_ =	strace $0x80000047;
	s0 =	ssub.s32 s0, s13  }
0xd: {  	[dreg:$0x14] =	wrdreg s25;
	s14 =	sshrl.u32 s9, $0x3;
	s0 =	smax.u32 s0, $0x1  }
0xe: {  	s12 =	sadd.s32 $0x9600, s15;
	s26 =	sadd.s32 s1, s14;
	[dreg:$0x13] =	wrdreg s0  }
0xf: {  	p0 =	sne.s32 s6, $0x0;
	s16 =	sadd.s32 s2, s14;
	[dreg:$0x8] =	wrdreg s26  }
0x10: {  	s25 =	simm.s32 $0x2;
	s17 =	sadd.s32 s10, s14;
	[dreg:$0x9] =	wrdreg s16  }
0x11: {  	s29 =	sadd.s32 $0xC80, s9;
	s18 =	sadd.s32 s11, s14;
	[dreg:$0xa] =	wrdreg s17  }
0x12: {  	s19 =	sadd.s32 s12, s14;
	s24 =	sadd.s32 s3, s14;
	[dreg:$0xb] =	wrdreg s18  }
0x13: {  	s16 =	sadd.s32 $0x640, s9;
	[dreg:$0xc] =	wrdreg s19;
	s6 =	sadd.s32 $0x60E0, s24  }
0x14: {  	s26 =	sadd.s32 $0x3200, s15;
	s20 =	sshrl.u32 s16, $0x3;
	[dreg:$0x12] =	wrdreg s6  }
0x15: {  	s30 =	sadd.s32 $0x12C0, s9;
	[dreg:$0x15] =	wrdreg s26;
	s17 =	sadd.s32 s1, s20  }
0x16: {  	s18 =	simm.s32 $0x1;
	s21 =	sadd.s32 s2, s20;
	[dreg:$0xd] =	wrdreg s17  }
0x17: {  	s19 =	simm.s32 $0x50;
	s22 =	sadd.s32 s10, s20;
	[dreg:$0xe] =	wrdreg s21  }
0x18: {  	s26 =	simm.s32 $0x4;
	s23 =	sadd.s32 s11, s20;
	[dreg:$0xf] =	wrdreg s22  }
0x19: {  	s6 =	simm.s32 $0x0;
	s13 =	sadd.s32 s12, s20;
	[dreg:$0x10] =	wrdreg s23  }
0x1a: {  	s20 =	simm.s32 $0x5;
	[dreg:$0x11] =	wrdreg s13;
	s21 =	simm.s32 $0x6  }
.LBB2_1:
0x1b: {  	[dreg:$0x16] =	wrdreg s6  }
0x1c: {  	s0 =	sshrl.u32 @!p0 s4, $0x3;
	s6 =	simm.s32 @!p0 $0x1C07;
	s13 =	rddreg [dreg:$0x14]  }
0x1d: {  	[spmem:s0], [sflag:s6] =	dma.local @!p0 [hbm:s13], $0x30D4  }
0x1e: {  	s0 =	simm.s32 @!p0 $0x7  }
0x1f: {  	_ =	swait.ge @!p0 [sflag:s0], $0x30D4  }
0x20: {  	[sflag:s0] =	ssyncset.done @!p0 $0x0  }
0x21: {  	s13 =	sshrl.u32 @!p0 s5, $0x3;
	s14 =	rddreg [dreg:$0x15];
	[sflag:s0] =	ssyncadd.s32 @!p0 $0xFFFFCF2C  }
0x22: {  	[spmem:s13], [sflag:s6] =	dma.local @!p0 [hbm:s14], $0x30D4  }
0x23: {  	_ =	swait.ge @!p0 [sflag:s0], $0x30D4  }
0x24: {  	[sflag:s0] =	ssyncset.done @!p0 $0x0  }
0x25: {  	[sflag:s0] =	ssyncadd.s32 @!p0 $0xFFFFCF2C  }
0x26: {  	s13 =	sshrl.u32 @!p0 s7, $0x3;
	s14 =	rddreg [dreg:$0x0]  }
0x27: {  	[spmem:s13], [sflag:s6] =	dma.local @!p0 [hbm:s14], $0x30D4  }
0x28: {  	_ =	swait.ge @!p0 [sflag:s0], $0x30D4  }
0x29: {  	[sflag:s0] =	ssyncset.done @!p0 $0x0  }
0x2a: {  	[sflag:s0] =	ssyncadd.s32 @!p0 $0xFFFFCF2C  }
0x2b: {  	[bflag:$0x0] =	sbarrier.arrive $0xFFFF  }
0x2c: {  	[tilespmem:s31], [sflag:$0x3] =	stream.linear.gather [hbm4b:s3+s8], $0x640, $0x38;
	[tilespmem:$0xDF50] =	vst v63  }
0x2d: {  	s24 =	simm.s32 $0xD910  }
0x2e: {  	[tilespmem:s24], [sflag:$0x6] =	stream.linear.gather [hbm4b:s3+s8], $0x640, $0x38;
	[tilespmem:$0xDF50] =	vst v63  }
0x2f: {  	s13 =	simm.s32 $0x4950;
	s6 =	rddreg [dreg:$0x8]  }
0x30: {  	[tilespmem:s13], [sflag:$0x1] =	stream.linear.gather [hbm4b:s6+s8], $0x640, $0x38;
	[tilespmem:$0xDF50] =	vst v63  }
0x31: {  	s15 =	simm.s32 $0x4F90;
	s14 =	rddreg [dreg:$0x9]  }
0x32: {  	[tilespmem:s15], [sflag:$0x1] =	stream.linear.gather [hbm4b:s14+s8], $0x640, $0x38;
	[tilespmem:$0xDF50] =	vst v63  }
0x33: {  	s22 =	simm.s32 $0x55D0;
	s17 =	rddreg [dreg:$0xa]  }
0x34: {  	[tilespmem:s22], [sflag:$0x1] =	stream.linear.gather [hbm4b:s17+s8], $0x640, $0x38;
	[tilespmem:$0xDF50] =	vst v63  }
0x35: {  	s23 =	rddreg [dreg:$0xb];
	s24 =	simm.s32 $0x5C10  }
0x36: {  	[tilespmem:s24], [sflag:$0x1] =	stream.linear.gather [hbm4b:s23+s8], $0x640, $0x38;
	[tilespmem:$0xDF50] =	vst v63  }
0x37: {  	s6 =	rddreg [dreg:$0xc];
	s13 =	simm.s32 $0x6250  }
0x38: {  	[tilespmem:s13], [sflag:$0x1] =	stream.linear.gather [hbm4b:s6+s8], $0x640, $0x38;
	[tilespmem:$0xDF50] =	vst v63  }
0x39: {  	_ =	swait.ge [sflag:s18], $0x640  }
0x3a: {  	[sflag:s18] =	ssyncset.done $0x0  }
0x3b: {  	[sflag:s18] =	ssyncadd.s32 $0xFFFFF9C0  }
0x3c: {  	_ =	swait.ge [sflag:s18], $0x640  }
0x3d: {  	[sflag:s18] =	ssyncset.done $0x0  }
0x3e: {  	[sflag:s18] =	ssyncadd.s32 $0xFFFFF9C0  }
0x3f: {  	_ =	swait.ge [sflag:s18], $0x640  }
0x40: {  	[sflag:s18] =	ssyncset.done $0x0  }
0x41: {  	[sflag:s18] =	ssyncadd.s32 $0xFFFFF9C0  }
0x42: {  	_ =	swait.ge [sflag:s18], $0x640  }
0x43: {  	[sflag:s18] =	ssyncset.done $0x0  }
0x44: {  	[sflag:s18] =	ssyncadd.s32 $0xFFFFF9C0  }
0x45: {  	_ =	swait.ge [sflag:s18], $0x640  }
0x46: {  	[sflag:s18] =	ssyncset.done $0x0  }
0x47: {  	s14 =	simm.s32 $0x6890;
	s15 =	simm.s32 $0x4950;
	[sflag:s18] =	ssyncadd.s32 $0xFFFFF9C0  }
0x48: {  	[tilespmem:s14], [sflag:$0x2] =	stream.indirect.gather [spmem:s4], $0x1, s15, s19, $0xb8;
	[tilespmem:$0xDF50] =	vst v63  }
0x49: {  	s17 =	simm.s32 $0x7B50;
	s6 =	simm.s32 $0x4F90  }
0x4a: {  	[tilespmem:s17], [sflag:$0x2] =	stream.indirect.gather [spmem:s4], $0x1, s6, s19, $0xb8;
	[tilespmem:$0xDF50] =	vst v63  }
0x4b: {  	s22 =	simm.s32 $0x6ED0  }
0x4c: {  	[tilespmem:s22], [sflag:$0x2] =	stream.indirect.gather [spmem:s5], $0x1, s15, s19, $0xb8;
	[tilespmem:$0xDF50] =	vst v63  }
0x4d: {  	s0 =	simm.s32 $0x50;
	s23 =	simm.s32 $0x8190  }
0x4e: {  	[tilespmem:s23], [sflag:$0x2] =	stream.indirect.gather [spmem:s5], $0x1, s6, s19, $0xb8;
	[tilespmem:$0xDF50] =	vst v63  }
0x4f: {  	s24 =	simm.s32 $0x7510;
	s13 =	simm.s32 $0x280;
	s14 =	simm.s32 $0x87D0  }
0x50: {  	[tilespmem:s24], [sflag:$0x2] =	stream.indirect.gather [spmem:s7], $0x1, s15, s19, $0xb8;
	[tilespmem:$0xDF50] =	vst v63  }
.LBB2_2:
0x51: {  	[tilespmem:s14], [sflag:$0x2] =	stream.indirect.gather [spmem:s7], $0x1, s6, s19, $0xb8;
	[tilespmem:$0xDF50] =	vst v63  }
0x52: {  	s6 =	smov.u32 s13  }
0x53: {  	s15 =	sshra.s32 s13, $0x2;
	s14 =	sadd.s32 $0x4950, s0;
	s6 =	sadd.s32 $0x6890, s0  }
0x54: {  	[tilespmem:s6], [sflag:$0x2] =	stream.indirect.gather [spmem:s4], $0x1, s14, s19, $0xb8;
	[tilespmem:$0xDF50] =	vst v63  }
0x55: {  	s22 =	sadd.s32 $0x140, s13;
	s23 =	sadd.s32 $0x7B50, s0;
	s6 =	sadd.s32 $0x4F90, s0  }
0x56: {  	[tilespmem:s23], [sflag:$0x2] =	stream.indirect.gather [spmem:s4], $0x1, s6, s19, $0xb8;
	[tilespmem:$0xDF50] =	vst v63  }
0x57: {  	p1 =	sne.s32 s13, $0x17C0;
	s13 =	sadd.s32 $0x6ED0, s0  }
0x58: {  	[tilespmem:s13], [sflag:$0x2] =	stream.indirect.gather [spmem:s5], $0x1, s14, s19, $0xb8;
	[tilespmem:$0xDF50] =	vst v63  }
.Ltmp0:
0x59: {  	s13 =	sadd.s32 $0x8190, s0;
	(pc) =	sbr.rel @p1 .LBB2_2-.Ltmp0, $4  }
0x5a: {  	[tilespmem:s13], [sflag:$0x2] =	stream.indirect.gather [spmem:s5], $0x1, s6, s19, $0xb8;
	[tilespmem:$0xDF50] =	vst v63  }
0x5b: {  	s13 =	sadd.s32 $0x7510, s0  }
0x5c: {  	[tilespmem:s13], [sflag:$0x2] =	stream.indirect.gather [spmem:s7], $0x1, s14, s19, $0xb8;
	[tilespmem:$0xDF50] =	vst v63  }
0x5d: {  	s14 =	sadd.s32 $0x87D0, s0;
	s0 =	smov.u32 s15;
	s13 =	smov.u32 s22  }
0x5e: {  	[tilespmem:s14], [sflag:$0x2] =	stream.indirect.gather [spmem:s7], $0x1, s6, s19, $0xb8;
	[tilespmem:$0xDF50] =	vst v63  }
0x5f: {  	s14 =	sadd.s32 $0x6890, s0;
	s13 =	sadd.s32 $0x4950, s0  }
0x60: {  	[tilespmem:s14], [sflag:$0x2] =	stream.indirect.gather [spmem:s4], $0x1, s13, s19, $0xb8;
	[tilespmem:$0xDF50] =	vst v63  }
0x61: {  	s15 =	sadd.s32 $0x7B50, s0;
	s17 =	sadd.s32 $0x4F90, s0  }
0x62: {  	[tilespmem:s15], [sflag:$0x2] =	stream.indirect.gather [spmem:s4], $0x1, s17, s19, $0xb8;
	[tilespmem:$0xDF50] =	vst v63  }
0x63: {  	s22 =	sadd.s32 $0x6ED0, s0  }
0x64: {  	[tilespmem:s22], [sflag:$0x2] =	stream.indirect.gather [spmem:s5], $0x1, s13, s19, $0xb8;
	[tilespmem:$0xDF50] =	vst v63  }
0x65: {  	s23 =	sadd.s32 $0x8190, s0  }
0x66: {  	[tilespmem:s23], [sflag:$0x2] =	stream.indirect.gather [spmem:s5], $0x1, s17, s19, $0xb8;
	[tilespmem:$0xDF50] =	vst v63  }
0x67: {  	s24 =	sadd.s32 $0x7510, s0  }
0x68: {  	[tilespmem:s24], [sflag:$0x2] =	stream.indirect.gather [spmem:s7], $0x1, s13, s19, $0xb8;
	[tilespmem:$0xDF50] =	vst v63  }
0x69: {  	s13 =	sadd.s32 $0x87D0, s0  }
0x6a: {  	[tilespmem:s13], [sflag:$0x2] =	stream.indirect.gather [spmem:s7], $0x1, s17, s19, $0xb8;
	[tilespmem:$0xDF50] =	vst v63  }
0x6b: {  	s15 =	rddreg [dreg:$0xd];
	s22 =	simm.s32 $0x0;
	s17 =	simm.s32 $0x9450  }
0x6c: {  	[tilespmem:s17], [sflag:$0x4] =	stream.linear.gather [hbm4b:s15+s22], $0x640, $0x38;
	[tilespmem:$0xDF50] =	vst v63  }
0x6d: {  	s23 =	rddreg [dreg:$0xe];
	s24 =	simm.s32 $0x9A90  }
0x6e: {  	[tilespmem:s24], [sflag:$0x4] =	stream.linear.gather [hbm4b:s23+s22], $0x640, $0x38;
	[tilespmem:$0xDF50] =	vst v63  }
0x6f: {  	s14 =	simm.s32 $0xA0D0;
	s13 =	rddreg [dreg:$0xf]  }
0x70: {  	[tilespmem:s14], [sflag:$0x4] =	stream.linear.gather [hbm4b:s13+s22], $0x640, $0x38;
	[tilespmem:$0xDF50] =	vst v63  }
0x71: {  	s15 =	rddreg [dreg:$0x10];
	s17 =	simm.s32 $0xA710  }
0x72: {  	[tilespmem:s17], [sflag:$0x4] =	stream.linear.gather [hbm4b:s15+s22], $0x640, $0x38;
	[tilespmem:$0xDF50] =	vst v63  }
0x73: {  	s23 =	rddreg [dreg:$0x11];
	s24 =	simm.s32 $0xAD50  }
0x74: {  	[tilespmem:s24], [sflag:$0x4] =	stream.linear.gather [hbm4b:s23+s22], $0x640, $0x38;
	[tilespmem:$0xDF50] =	vst v63  }
.LBB2_4:
0x75: {  	_ =	swait.ge [sflag:s25], $0x640  }
0x76: {  	[sflag:s25] =	ssyncset.done $0x0  }
0x77: {  	[sflag:s25] =	ssyncadd.s32 $0xFFFFF9C0  }
0x78: {  	_ =	swait.ge [sflag:s25], $0x640  }
0x79: {  	[sflag:s25] =	ssyncset.done $0x0  }
0x7a: {  	[sflag:s25] =	ssyncadd.s32 $0xFFFFF9C0  }
0x7b: {  	_ =	swait.ge [sflag:s25], $0x640  }
0x7c: {  	[sflag:s25] =	ssyncset.done $0x0  }
0x7d: {  	[sflag:s25] =	ssyncadd.s32 $0xFFFFF9C0  }
0x7e: {  	_ =	swait.ge [sflag:s25], $0x640  }
0x7f: {  	[sflag:s25] =	ssyncset.done $0x0  }
0x80: {  	[sflag:s25] =	ssyncadd.s32 $0xFFFFF9C0  }
0x81: {  	_ =	swait.ge [sflag:s25], $0x640  }
0x82: {  	[sflag:s25] =	ssyncset.done $0x0  }
0x83: {  	[sflag:s25] =	ssyncadd.s32 $0xFFFFF9C0  }
0x84: {  	_ =	swait.ge [sflag:s25], $0x640  }
0x85: {  	[sflag:s25] =	ssyncset.done $0x0  }
0x86: {  	[sflag:s25] =	ssyncadd.s32 $0xFFFFF9C0  }
0x87: {  	_ =	swait.ge [sflag:s26], $0x640  }
0x88: {  	[sflag:s26] =	ssyncset.done $0x0  }
0x89: {  	[sflag:s26] =	ssyncadd.s32 $0xFFFFF9C0  }
0x8a: {  	_ =	swait.ge [sflag:s26], $0x640  }
0x8b: {  	[sflag:s26] =	ssyncset.done $0x0  }
0x8c: {  	[sflag:s26] =	ssyncadd.s32 $0xFFFFF9C0  }
0x8d: {  	_ =	swait.ge [sflag:s26], $0x640  }
0x8e: {  	[sflag:s26] =	ssyncset.done $0x0  }
0x8f: {  	[sflag:s26] =	ssyncadd.s32 $0xFFFFF9C0  }
0x90: {  	_ =	swait.ge [sflag:s26], $0x640  }
0x91: {  	[sflag:s26] =	ssyncset.done $0x0  }
0x92: {  	[sflag:s26] =	ssyncadd.s32 $0xFFFFF9C0  }
0x93: {  	_ =	swait.ge [sflag:s26], $0x640  }
0x94: {  	[sflag:s26] =	ssyncset.done $0x0  }
0x95: {  	s0 =	simm.s32 $0xB390;
	s13 =	simm.s32 $0x9450;
	[sflag:s26] =	ssyncadd.s32 $0xFFFFF9C0  }
0x96: {  	[tilespmem:s0], [sflag:$0x5] =	stream.indirect.gather [spmem:s4], $0x1, s13, s19, $0xb8;
	[tilespmem:$0xDF50] =	vst v63  }
0x97: {  	s15 =	simm.s32 $0xC650;
	s6 =	simm.s32 $0x9A90  }
0x98: {  	[tilespmem:s15], [sflag:$0x5] =	stream.indirect.gather [spmem:s4], $0x1, s6, s19, $0xb8;
	[tilespmem:$0xDF50] =	vst v63  }
0x99: {  	s17 =	simm.s32 $0xB9D0  }
0x9a: {  	[tilespmem:s17], [sflag:$0x5] =	stream.indirect.gather [spmem:s5], $0x1, s13, s19, $0xb8;
	[tilespmem:$0xDF50] =	vst v63  }
0x9b: {  	s23 =	simm.s32 $0xCC90  }
0x9c: {  	[tilespmem:s23], [sflag:$0x5] =	stream.indirect.gather [spmem:s5], $0x1, s6, s19, $0xb8;
	[tilespmem:$0xDF50] =	vst v63  }
0x9d: {  	s24 =	simm.s32 $0xC010  }
0x9e: {  	[tilespmem:s24], [sflag:$0x5] =	stream.indirect.gather [spmem:s7], $0x1, s13, s19, $0xb8;
	[tilespmem:$0xDF50] =	vst v63  }
0x9f: {  	s14 =	simm.s32 $0xD2D0;
	s0 =	simm.s32 $0x50;
	s13 =	simm.s32 $0x280  }
.LBB2_5:
0xa0: {  	[tilespmem:s14], [sflag:$0x5] =	stream.indirect.gather [spmem:s7], $0x1, s6, s19, $0xb8;
	[tilespmem:$0xDF50] =	vst v63  }
0xa1: {  	s6 =	smov.u32 s13  }
0xa2: {  	s15 =	sshra.s32 s13, $0x2;
	s14 =	sadd.s32 $0x9450, s0;
	s6 =	sadd.s32 $0xB390, s0  }
0xa3: {  	[tilespmem:s6], [sflag:$0x5] =	stream.indirect.gather [spmem:s4], $0x1, s14, s19, $0xb8;
	[tilespmem:$0xDF50] =	vst v63  }
0xa4: {  	s23 =	sadd.s32 $0x140, s13;
	s24 =	sadd.s32 $0xC650, s0;
	s6 =	sadd.s32 $0x9A90, s0  }
0xa5: {  	[tilespmem:s24], [sflag:$0x5] =	stream.indirect.gather [spmem:s4], $0x1, s6, s19, $0xb8;
	[tilespmem:$0xDF50] =	vst v63  }
0xa6: {  	p1 =	sne.s32 s13, $0x17C0;
	s13 =	sadd.s32 $0xB9D0, s0  }
0xa7: {  	[tilespmem:s13], [sflag:$0x5] =	stream.indirect.gather [spmem:s5], $0x1, s14, s19, $0xb8;
	[tilespmem:$0xDF50] =	vst v63  }
.Ltmp1:
0xa8: {  	s13 =	sadd.s32 $0xCC90, s0;
	(pc) =	sbr.rel @p1 .LBB2_5-.Ltmp1, $4  }
0xa9: {  	[tilespmem:s13], [sflag:$0x5] =	stream.indirect.gather [spmem:s5], $0x1, s6, s19, $0xb8;
	[tilespmem:$0xDF50] =	vst v63  }
0xaa: {  	s13 =	sadd.s32 $0xC010, s0  }
0xab: {  	[tilespmem:s13], [sflag:$0x5] =	stream.indirect.gather [spmem:s7], $0x1, s14, s19, $0xb8;
	[tilespmem:$0xDF50] =	vst v63  }
0xac: {  	s14 =	sadd.s32 $0xD2D0, s0;
	s0 =	smov.u32 s15;
	s13 =	smov.u32 s23  }
0xad: {  	[tilespmem:s14], [sflag:$0x5] =	stream.indirect.gather [spmem:s7], $0x1, s6, s19, $0xb8;
	[tilespmem:$0xDF50] =	vst v63  }
0xae: {  	s23 =	sadd.s32 $0xB390, s0;
	s13 =	sadd.s32 $0x9450, s0  }
0xaf: {  	[tilespmem:s23], [sflag:$0x5] =	stream.indirect.gather [spmem:s4], $0x1, s13, s19, $0xb8;
	[tilespmem:$0xDF50] =	vst v63  }
0xb0: {  	s24 =	sadd.s32 $0xC650, s0;
	s14 =	sadd.s32 $0x9A90, s0  }
0xb1: {  	[tilespmem:s24], [sflag:$0x5] =	stream.indirect.gather [spmem:s4], $0x1, s14, s19, $0xb8;
	[tilespmem:$0xDF50] =	vst v63  }
0xb2: {  	s15 =	sadd.s32 $0xB9D0, s0  }
0xb3: {  	[tilespmem:s15], [sflag:$0x5] =	stream.indirect.gather [spmem:s5], $0x1, s13, s19, $0xb8;
	[tilespmem:$0xDF50] =	vst v63  }
0xb4: {  	s17 =	sadd.s32 $0xCC90, s0  }
0xb5: {  	[tilespmem:s17], [sflag:$0x5] =	stream.indirect.gather [spmem:s5], $0x1, s14, s19, $0xb8;
	[tilespmem:$0xDF50] =	vst v63  }
0xb6: {  	s23 =	sadd.s32 $0xC010, s0  }
0xb7: {  	[tilespmem:s23], [sflag:$0x5] =	stream.indirect.gather [spmem:s7], $0x1, s13, s19, $0xb8;
	[tilespmem:$0xDF50] =	vst v63  }
0xb8: {  	s24 =	sadd.s32 $0xD2D0, s0  }
0xb9: {  	[tilespmem:s24], [sflag:$0x5] =	stream.indirect.gather [spmem:s7], $0x1, s14, s19, $0xb8;
	[tilespmem:$0xDF50] =	vst v63  }
0xba: {  	_ =	swait.ge [sflag:s28], $0x640  }
0xbb: {  	[sflag:s28] =	ssyncset.done $0x0  }
0xbc: {  	s23 =	simm.s32 $0x0;
	[sflag:s28] =	ssyncadd.s32 $0xFFFFF9C0  }
0xbd: {  	v0 =	vld [tilespmem:s23+$0x55D0]  }
0xbe: {  	v1 =	vld [tilespmem:s23+$0x6890]  }
0xbf: {  	v2 =	vld [tilespmem:s23+$0x7B50]  }
0xc0: {  	v3 =	vld [tilespmem:s23+$0x6ED0]  }
0xc1: {  	v4 =	vld [tilespmem:s23+$0x8190]  }
0xc2: {  	v5 =	vld [tilespmem:s23+$0x7510]  }
0xc3: {  	v6 =	vld [tilespmem:s23+$0x87D0]  }
0xc4: {  	v7 =	vld [tilespmem:s23+$0x5C10]  }
0xc5: {  	s24 =	simm.s32 $0x10;
	v8 =	vld [tilespmem:s23+$0x6250]  }
0xc6: {  	v9 =	vld [tilespmem:s24+$0x55D0]  }
0xc7: {  	v10 =	vld [tilespmem:s24+$0x87D0]  }
0xc8: {  	v11 =	vld [tilespmem:s24+$0x6250];
	v1 =	vsub.f32 v1, v2;
	v3 =	vsub.f32 v3, v4  }
0xc9: {  	v2 =	vld [tilespmem:s24+$0x6890];
	v5 =	vsub.f32 v5, v6  }
0xca: {  	v4 =	vld [tilespmem:s24+$0x7B50];
	v0 =	vsub.f32 v1, v0;
	v3 =	vsub.f32 v3, v7  }
0xcb: {  	v6 =	vld [tilespmem:s24+$0x8190]  }
0xcc: {  	v1 =	vld [tilespmem:s24+$0x6ED0];
	v5 =	vsub.f32 v5, v8;
	v0 =	vmul.f32 v0, v0;
	v3 =	vmul.f32 v3, v3  }
0xcd: {  	v7 =	vld [tilespmem:s24+$0x7510]  }
0xce: {  	s6 =	simm.s32 $0x20;
	v8 =	vld [tilespmem:s24+$0x5C10];
	v0 =	vadd.f32 v3, v0;
	v3 =	vmul.f32 v5, v5  }
0xcf: {  	v12 =	vld [tilespmem:s6+$0x7510]  }
0xd0: {  	v13 =	vld [tilespmem:s6+$0x87D0];
	v2 =	vsub.f32 v2, v4;
	v3 =	vadd.f32 v3, v0  }
0xd1: {  	v4 =	vld [tilespmem:s6+$0x6890];
	v0 =	vsub.f32 v1, v6  }
0xd2: {  	v5 =	vld [tilespmem:s6+$0x55D0];
	v2 =	vsub.f32 v2, v9;
	v6 =	vsub.f32 v7, v10;
	v9 =	vmax.f32 v3, $0.0e+00  }
0xd3: {  	v1 =	vld [tilespmem:s6+$0x7B50];
	v0 =	vsub.f32 v0, v8;
	v10 =	vmul.f32 $5.000000000e-01, v3;
	v9 =	vshra.s32 v9, $0x1  }
0xd4: {  	v7 =	vld [tilespmem:s6+$0x6ED0];
	v2 =	vmul.f32 v2, v2;
	v9 =	vsub.s32 $0x5F3759DF, v9  }
0xd5: {  	v8 =	vld [tilespmem:s6+$0x8190];
	v6 =	vsub.f32 v6, v11;
	v0 =	vmul.f32 v0, v0;
	v11 =	vmul.f32 v9, v10  }
0xd6: {  	v14 =	vld [tilespmem:s6+$0x5C10]  }
0xd7: {  	s0 =	simm.s32 $0x30;
	v15 =	vld [tilespmem:s6+$0x6250];
	v0 =	vadd.f32 v0, v2;
	v2 =	vmul.f32 v6, v6;
	v6 =	vmul.f32 v9, v11  }
0xd8: {  	v1 =	vsub.f32 v4, v1;
	v4 =	vld [tilespmem:s0+$0x6890]  }
0xd9: {  	v11 =	vld [tilespmem:s0+$0x55D0];
	v0 =	vadd.f32 v2, v0;
	v2 =	vsub.f32 $1.500000000e+00, v6  }
0xda: {  	v1 =	vsub.f32 v1, v5;
	v6 =	vsub.f32 v7, v8;
	v7 =	vld [tilespmem:s0+$0x7B50]  }
0xdb: {  	v5 =	vsub.f32 v12, v13;
	v8 =	vld [tilespmem:s0+$0x6ED0];
	v12 =	vmax.f32 v0, $0.0e+00;
	v2 =	vmul.f32 v9, v2  }
0xdc: {  	v17 =	vmul.f32 $5.000000000e-01, v0;
	v6 =	vsub.f32 v6, v14;
	v9 =	vld [tilespmem:s0+$0x8190];
	v12 =	vshra.s32 v12, $0x1  }
0xdd: {  	v13 =	vld [tilespmem:s0+$0x7510];
	v1 =	vmul.f32 v1, v1;
	v12 =	vsub.s32 $0x5F3759DF, v12;
	v10 =	vmul.f32 v2, v10  }
0xde: {  	v5 =	vsub.f32 v5, v15;
	v14 =	vld [tilespmem:s0+$0x87D0];
	v6 =	vmul.f32 v6, v6;
	v15 =	vmul.f32 v12, v17  }
0xdf: {  	v18 =	vld [tilespmem:s0+$0x5C10];
	v16 =	vsub.f32 v4, v7;
	v7 =	vmul.f32 v10, v2  }
0xe0: {  	s13 =	simm.s32 $0x40;
	v5 =	vmul.f32 v5, v5;
	v4 =	vld [tilespmem:s0+$0x6250];
	v1 =	vadd.f32 v6, v1;
	v10 =	vmul.f32 v12, v15  }
0xe1: {  	v6 =	vld [tilespmem:s13+$0x55D0];
	v9 =	vsub.f32 v8, v9;
	v8 =	vsub.f32 $1.500000000e+00, v7  }
0xe2: {  	v7 =	vld [tilespmem:s13+$0x6890];
	v1 =	vadd.f32 v5, v1;
	v5 =	vsub.f32 $1.500000000e+00, v10  }
0xe3: {  	v15 =	vsub.f32 v16, v11;
	v13 =	vsub.f32 v13, v14;
	v10 =	vld [tilespmem:s13+$0x7B50];
	v16 =	vmul.f32 v8, v2  }
0xe4: {  	v11 =	vld [tilespmem:s13+$0x8190];
	v14 =	vsub.f32 v9, v18;
	v9 =	vmax.f32 v1, $0.0e+00;
	v2 =	vmul.f32 v12, v5  }
0xe5: {  	v8 =	vld [tilespmem:s13+$0x6ED0];
	v5 =	vmul.f32 $5.000000000e-01, v1;
	v9 =	vshra.s32 v9, $0x1;
	v16 =	vmul.f32 v16, v3  }
0xe6: {  	s14 =	simm.s32 $0x140;
	v15 =	vmul.f32 v15, v15;
	v12 =	vld [tilespmem:s13+$0x7510];
	v3 =	vsub.s32 $0x5F3759DF, v9;
	v9 =	vmul.f32 v2, v17  }
.LBB2_7:
0xe7: {  	p1 =	sne.s32 s14, $0x18C0;
	v17 =	vld [tilespmem:s13+$0x87D0];
	v13 =	vsub.f32 v13, v4;
	v14 =	vmul.f32 v14, v14;
	v18 =	vmul.f32 v3, v5;
	[tilespmem:s23+$0x8E10] =	vst v16;
	s23 =	smov.u32 s24;
	s24 =	smov.u32 s6  }
0xe8: {  	s6 =	smov.u32 s0;
	s0 =	smov.u32 s13;
	v16 =	vsub.f32 v7, v10;
	v19 =	vld [tilespmem:s13+$0x5C10];
	v7 =	vmul.f32 v9, v2;
	v9 =	vmov v5  }
0xe9: {  	s13 =	sshra.s32 s14, $0x2;
	v4 =	vld [tilespmem:s0+$0x6250];
	v5 =	vadd.f32 v14, v15;
	v10 =	vmul.f32 v13, v13;
	v13 =	vmul.f32 v3, v18  }
0xea: {  	v18 =	vld [tilespmem:s13+$0x55D0];
	v11 =	vsub.f32 v8, v11;
	v8 =	vsub.f32 $1.500000000e+00, v7  }
.Ltmp2:
0xeb: {  	v7 =	vld [tilespmem:s13+$0x6890];
	v15 =	vadd.f32 v10, v5;
	v5 =	vsub.f32 $1.500000000e+00, v13;
	(pc) =	sbr.rel @p1 .LBB2_7-.Ltmp2, $4  }
0xec: {  	v20 =	vsub.f32 v16, v6;
	v10 =	vld [tilespmem:s13+$0x7B50];
	v13 =	vsub.f32 v12, v17;
	v12 =	vmul.f32 v8, v2  }
0xed: {  	v8 =	vld [tilespmem:s13+$0x6ED0];
	v14 =	vsub.f32 v11, v19;
	v16 =	vmax.f32 v15, $0.0e+00;
	v2 =	vmul.f32 v3, v5  }
0xee: {  	v5 =	vmul.f32 $5.000000000e-01, v15;
	v11 =	vld [tilespmem:s13+$0x8190];
	v3 =	vshra.s32 v16, $0x1;
	v16 =	vmul.f32 v12, v0;
	v0 =	vmovc v1;
	v1 =	vmovc v15  }
0xef: {  	s14 =	sadd.s32 $0x40, s14;
	v15 =	vmul.f32 v20, v20;
	v12 =	vld [tilespmem:s13+$0x7510];
	v3 =	vsub.s32 $0x5F3759DF, v3;
	v9 =	vmul.f32 v2, v9;
	v6 =	vmovc v18  }
0xf0: {  	v17 =	vld [tilespmem:s13+$0x87D0];
	[tilespmem:s23+$0x8E10] =	vst v16  }
0xf1: {  	v16 =	vld [tilespmem:s13+$0x5C10];
	_ =	sdelay $0x1  }
0xf2: {  	v7 =	vsub.f32 v7, v10;
	v44 =	vld [tilespmem:s13+$0x6250]  }
0xf3: {  	v8 =	vsub.f32 v8, v11  }
0xf4: {  	v6 =	vsub.f32 v7, v6  }
0xf5: {  	v45 =	vsub.f32 v12, v17;
	v8 =	vsub.f32 v8, v16  }
0xf6: {  	v4 =	vsub.f32 v13, v4;
	v46 =	vmul.f32 v14, v14  }
0xf7: {  	v6 =	vmul.f32 v6, v6;
	v7 =	vsub.f32 v45, v44;
	v8 =	vmul.f32 v8, v8  }
0xf8: {  	v47 =	vadd.f32 v46, v15;
	v4 =	vmul.f32 v4, v4  }
0xf9: {  	v7 =	vmul.f32 v7, v7;
	v6 =	vadd.f32 v8, v6  }
0xfa: {  	v4 =	vadd.f32 v4, v47  }
0xfb: {  	v6 =	vadd.f32 v7, v6  }
0xfc: {  	v48 =	vmul.f32 v3, v5;
	v49 =	vmax.f32 v4, $0.0e+00  }
0xfd: {  	v10 =	vmul.f32 $5.000000000e-01, v4;
	v8 =	vshra.s32 v49, $0x1;
	v50 =	vmax.f32 v6, $0.0e+00  }
0xfe: {  	v8 =	vsub.s32 $0x5F3759DF, v8;
	v51 =	vmul.f32 $5.000000000e-01, v6;
	v11 =	vshra.s32 v50, $0x1  }
0xff: {  	v52 =	vmul.f32 v8, v10;
	v11 =	vsub.s32 $0x5F3759DF, v11  }
0x100: {  	v7 =	vmul.f32 v3, v48;
	v53 =	vmul.f32 v11, v51  }
0x101: {  	v13 =	vmul.f32 v8, v52  }
0x102: {  	v7 =	vsub.f32 $1.500000000e+00, v7;
	v14 =	vmul.f32 v11, v53  }
0x103: {  	v13 =	vsub.f32 $1.500000000e+00, v13  }
0x104: {  	v54 =	vmul.f32 v3, v7;
	v55 =	vsub.f32 $1.500000000e+00, v14  }
0x105: {  	v8 =	vmul.f32 v8, v13  }
0x106: {  	v56 =	vmul.f32 v54, v5;
	v7 =	vmul.f32 v11, v55  }
0x107: {  	v9 =	vmul.f32 v9, v2;
	v10 =	vmul.f32 v8, v10  }
0x108: {  	v5 =	vmul.f32 v56, v54;
	v11 =	vmul.f32 v7, v51  }
0x109: {  	v9 =	vsub.f32 $1.500000000e+00, v9;
	v10 =	vmul.f32 v10, v8  }
0x10a: {  	v5 =	vsub.f32 $1.500000000e+00, v5;
	v11 =	vmul.f32 v11, v7  }
0x10b: {  	v57 =	vmul.f32 v9, v2;
	v58 =	vsub.f32 $1.500000000e+00, v10  }
0x10c: {  	v3 =	vmul.f32 v5, v54;
	v59 =	vsub.f32 $1.500000000e+00, v11  }
0x10d: {  	v0 =	vmul.f32 v57, v0;
	v60 =	vmul.f32 v58, v8  }
0x10e: {  	s23 =	smul.u32 $0xC80, s22;
	v1 =	vmul.f32 v3, v1;
	v61 =	vmul.f32 v59, v7  }
0x10f: {  	[tilespmem:s24+$0x8E10] =	vst v0;
	v62 =	vmul.f32 v60, v4  }
0x110: {  	s14 =	sadd.s32 s9, s23;
	[tilespmem:s6+$0x8E10] =	vst v1;
	v63 =	vmul.f32 v61, v6  }
0x111: {  	s15 =	sshrl.u32 s14, $0x3;
	[tilespmem:s0+$0x8E10] =	vst v62  }
0x112: {  	s17 =	sadd.s32 s23, s29;
	s6 =	simm.s32 $0x0;
	s0 =	sadd.s32 s3, s15;
	[tilespmem:s13+$0x8E10] =	vst v63  }
0x113: {  	[hbm4b:s0+s6] =	stream.linear.scatter [tilespmem:s31], [sflag:$0x3], $0x640, $0x38;
	[tilespmem:$0xDF50] =	vst v63  }
0x114: {  	s0 =	sshrl.u32 s17, $0x3  }
0x115: {  	s14 =	simm.s32 $0x4950;
	s24 =	sadd.s32 s1, s0  }
0x116: {  	[tilespmem:s14], [sflag:$0x1] =	stream.linear.gather [hbm4b:s24+s6], $0x640, $0x38;
	[tilespmem:$0xDF50] =	vst v63  }
0x117: {  	s15 =	simm.s32 $0x4F90;
	s14 =	sadd.s32 s2, s0  }
0x118: {  	[tilespmem:s15], [sflag:$0x1] =	stream.linear.gather [hbm4b:s14+s6], $0x640, $0x38;
	[tilespmem:$0xDF50] =	vst v63  }
0x119: {  	s17 =	sadd.s32 s10, s0;
	s24 =	simm.s32 $0x55D0  }
0x11a: {  	[tilespmem:s24], [sflag:$0x1] =	stream.linear.gather [hbm4b:s17+s6], $0x640, $0x38;
	[tilespmem:$0xDF50] =	vst v63  }
0x11b: {  	s15 =	sadd.s32 s11, s0;
	s17 =	simm.s32 $0x5C10  }
0x11c: {  	[tilespmem:s17], [sflag:$0x1] =	stream.linear.gather [hbm4b:s15+s6], $0x640, $0x38;
	[tilespmem:$0xDF50] =	vst v63  }
0x11d: {  	s0 =	sadd.s32 s12, s0;
	s24 =	simm.s32 $0x6250  }
0x11e: {  	[tilespmem:s24], [sflag:$0x1] =	stream.linear.gather [hbm4b:s0+s6], $0x640, $0x38;
	[tilespmem:$0xDF50] =	vst v63  }
0x11f: {  	_ =	swait.ge [sflag:s20], $0x640  }
0x120: {  	[sflag:s20] =	ssyncset.done $0x0  }
0x121: {  	[sflag:s20] =	ssyncadd.s32 $0xFFFFF9C0  }
0x122: {  	_ =	swait.ge [sflag:s20], $0x640  }
0x123: {  	[sflag:s20] =	ssyncset.done $0x0  }
0x124: {  	[sflag:s20] =	ssyncadd.s32 $0xFFFFF9C0  }
0x125: {  	_ =	swait.ge [sflag:s20], $0x640  }
0x126: {  	[sflag:s20] =	ssyncset.done $0x0  }
0x127: {  	[sflag:s20] =	ssyncadd.s32 $0xFFFFF9C0  }
0x128: {  	_ =	swait.ge [sflag:s20], $0x640  }
0x129: {  	[sflag:s20] =	ssyncset.done $0x0  }
0x12a: {  	[sflag:s20] =	ssyncadd.s32 $0xFFFFF9C0  }
0x12b: {  	_ =	swait.ge [sflag:s20], $0x640  }
0x12c: {  	[sflag:s20] =	ssyncset.done $0x0  }
0x12d: {  	[sflag:s20] =	ssyncadd.s32 $0xFFFFF9C0  }
0x12e: {  	_ =	swait.ge [sflag:s20], $0x640  }
0x12f: {  	[sflag:s20] =	ssyncset.done $0x0  }
0x130: {  	[sflag:s20] =	ssyncadd.s32 $0xFFFFF9C0  }
0x131: {  	_ =	swait.ge [sflag:s18], $0x640  }
0x132: {  	[sflag:s18] =	ssyncset.done $0x0  }
0x133: {  	[sflag:s18] =	ssyncadd.s32 $0xFFFFF9C0  }
0x134: {  	_ =	swait.ge [sflag:s18], $0x640  }
0x135: {  	[sflag:s18] =	ssyncset.done $0x0  }
0x136: {  	[sflag:s18] =	ssyncadd.s32 $0xFFFFF9C0  }
0x137: {  	_ =	swait.ge [sflag:s18], $0x640  }
0x138: {  	[sflag:s18] =	ssyncset.done $0x0  }
0x139: {  	[sflag:s18] =	ssyncadd.s32 $0xFFFFF9C0  }
0x13a: {  	_ =	swait.ge [sflag:s18], $0x640  }
0x13b: {  	[sflag:s18] =	ssyncset.done $0x0  }
0x13c: {  	[sflag:s18] =	ssyncadd.s32 $0xFFFFF9C0  }
0x13d: {  	_ =	swait.ge [sflag:s18], $0x640  }
0x13e: {  	[sflag:s18] =	ssyncset.done $0x0  }
0x13f: {  	s13 =	simm.s32 $0x4950;
	s6 =	simm.s32 $0x6890;
	[sflag:s18] =	ssyncadd.s32 $0xFFFFF9C0  }
0x140: {  	[tilespmem:s6], [sflag:$0x2] =	stream.indirect.gather [spmem:s4], $0x1, s13, s19, $0xb8;
	[tilespmem:$0xDF50] =	vst v63  }
0x141: {  	s14 =	simm.s32 $0x7B50;
	s6 =	simm.s32 $0x4F90  }
0x142: {  	[tilespmem:s14], [sflag:$0x2] =	stream.indirect.gather [spmem:s4], $0x1, s6, s19, $0xb8;
	[tilespmem:$0xDF50] =	vst v63  }
0x143: {  	s15 =	simm.s32 $0x6ED0  }
0x144: {  	[tilespmem:s15], [sflag:$0x2] =	stream.indirect.gather [spmem:s5], $0x1, s13, s19, $0xb8;
	[tilespmem:$0xDF50] =	vst v63  }
0x145: {  	s17 =	simm.s32 $0x8190  }
0x146: {  	[tilespmem:s17], [sflag:$0x2] =	stream.indirect.gather [spmem:s5], $0x1, s6, s19, $0xb8;
	[tilespmem:$0xDF50] =	vst v63  }
0x147: {  	s24 =	simm.s32 $0x7510  }
0x148: {  	[tilespmem:s24], [sflag:$0x2] =	stream.indirect.gather [spmem:s7], $0x1, s13, s19, $0xb8;
	[tilespmem:$0xDF50] =	vst v63  }
0x149: {  	s0 =	simm.s32 $0x50;
	s14 =	simm.s32 $0x87D0;
	s13 =	simm.s32 $0x280  }
.LBB2_9:
0x14a: {  	[tilespmem:s14], [sflag:$0x2] =	stream.indirect.gather [spmem:s7], $0x1, s6, s19, $0xb8;
	[tilespmem:$0xDF50] =	vst v63  }
0x14b: {  	s6 =	smov.u32 s13  }
0x14c: {  	s15 =	sshra.s32 s13, $0x2;
	s14 =	sadd.s32 $0x4950, s0;
	s6 =	sadd.s32 $0x6890, s0  }
0x14d: {  	[tilespmem:s6], [sflag:$0x2] =	stream.indirect.gather [spmem:s4], $0x1, s14, s19, $0xb8;
	[tilespmem:$0xDF50] =	vst v63  }
0x14e: {  	s24 =	sadd.s32 $0x140, s13;
	s17 =	sadd.s32 $0x7B50, s0;
	s6 =	sadd.s32 $0x4F90, s0  }
0x14f: {  	[tilespmem:s17], [sflag:$0x2] =	stream.indirect.gather [spmem:s4], $0x1, s6, s19, $0xb8;
	[tilespmem:$0xDF50] =	vst v63  }
0x150: {  	p1 =	sne.s32 s13, $0x17C0;
	s13 =	sadd.s32 $0x6ED0, s0  }
0x151: {  	[tilespmem:s13], [sflag:$0x2] =	stream.indirect.gather [spmem:s5], $0x1, s14, s19, $0xb8;
	[tilespmem:$0xDF50] =	vst v63  }
.Ltmp3:
0x152: {  	s13 =	sadd.s32 $0x8190, s0;
	(pc) =	sbr.rel @p1 .LBB2_9-.Ltmp3, $4  }
0x153: {  	[tilespmem:s13], [sflag:$0x2] =	stream.indirect.gather [spmem:s5], $0x1, s6, s19, $0xb8;
	[tilespmem:$0xDF50] =	vst v63  }
0x154: {  	s13 =	sadd.s32 $0x7510, s0  }
0x155: {  	[tilespmem:s13], [sflag:$0x2] =	stream.indirect.gather [spmem:s7], $0x1, s14, s19, $0xb8;
	[tilespmem:$0xDF50] =	vst v63  }
0x156: {  	s14 =	sadd.s32 $0x87D0, s0;
	s0 =	smov.u32 s15;
	s13 =	smov.u32 s24  }
0x157: {  	[tilespmem:s14], [sflag:$0x2] =	stream.indirect.gather [spmem:s7], $0x1, s6, s19, $0xb8;
	[tilespmem:$0xDF50] =	vst v63  }
0x158: {  	s15 =	sadd.s32 $0x6890, s0;
	s13 =	sadd.s32 $0x4950, s0  }
0x159: {  	[tilespmem:s15], [sflag:$0x2] =	stream.indirect.gather [spmem:s4], $0x1, s13, s19, $0xb8;
	[tilespmem:$0xDF50] =	vst v63  }
0x15a: {  	s17 =	sadd.s32 $0x7B50, s0;
	s14 =	sadd.s32 $0x4F90, s0  }
0x15b: {  	[tilespmem:s17], [sflag:$0x2] =	stream.indirect.gather [spmem:s4], $0x1, s14, s19, $0xb8;
	[tilespmem:$0xDF50] =	vst v63  }
0x15c: {  	s24 =	sadd.s32 $0x6ED0, s0  }
0x15d: {  	[tilespmem:s24], [sflag:$0x2] =	stream.indirect.gather [spmem:s5], $0x1, s13, s19, $0xb8;
	[tilespmem:$0xDF50] =	vst v63  }
0x15e: {  	s15 =	sadd.s32 $0x8190, s0  }
0x15f: {  	[tilespmem:s15], [sflag:$0x2] =	stream.indirect.gather [spmem:s5], $0x1, s14, s19, $0xb8;
	[tilespmem:$0xDF50] =	vst v63  }
0x160: {  	s17 =	sadd.s32 $0x7510, s0  }
0x161: {  	[tilespmem:s17], [sflag:$0x2] =	stream.indirect.gather [spmem:s7], $0x1, s13, s19, $0xb8;
	[tilespmem:$0xDF50] =	vst v63  }
0x162: {  	s24 =	sadd.s32 $0x87D0, s0  }
0x163: {  	[tilespmem:s24], [sflag:$0x2] =	stream.indirect.gather [spmem:s7], $0x1, s14, s19, $0xb8;
	[tilespmem:$0xDF50] =	vst v63  }
0x164: {  	_ =	swait.ge [sflag:s21], $0x640  }
0x165: {  	[sflag:s21] =	ssyncset.done $0x0  }
0x166: {  	s13 =	simm.s32 $0x0;
	[sflag:s21] =	ssyncadd.s32 $0xFFFFF9C0  }
0x167: {  	v0 =	vld [tilespmem:s13+$0xA0D0]  }
0x168: {  	v1 =	vld [tilespmem:s13+$0xB390]  }
0x169: {  	v2 =	vld [tilespmem:s13+$0xC650]  }
0x16a: {  	v3 =	vld [tilespmem:s13+$0xB9D0]  }
0x16b: {  	v4 =	vld [tilespmem:s13+$0xCC90]  }
0x16c: {  	v5 =	vld [tilespmem:s13+$0xC010]  }
0x16d: {  	v6 =	vld [tilespmem:s13+$0xD2D0]  }
0x16e: {  	v7 =	vld [tilespmem:s13+$0xA710]  }
0x16f: {  	s24 =	simm.s32 $0x10;
	v8 =	vld [tilespmem:s13+$0xAD50]  }
0x170: {  	v9 =	vld [tilespmem:s24+$0xA0D0]  }
0x171: {  	v10 =	vld [tilespmem:s24+$0xD2D0]  }
0x172: {  	v11 =	vld [tilespmem:s24+$0xAD50];
	v1 =	vsub.f32 v1, v2;
	v3 =	vsub.f32 v3, v4  }
0x173: {  	v2 =	vld [tilespmem:s24+$0xB390];
	v5 =	vsub.f32 v5, v6  }
0x174: {  	v4 =	vld [tilespmem:s24+$0xC650];
	v0 =	vsub.f32 v1, v0;
	v3 =	vsub.f32 v3, v7  }
0x175: {  	v6 =	vld [tilespmem:s24+$0xCC90]  }
0x176: {  	v1 =	vld [tilespmem:s24+$0xB9D0];
	v5 =	vsub.f32 v5, v8;
	v0 =	vmul.f32 v0, v0;
	v3 =	vmul.f32 v3, v3  }
0x177: {  	v7 =	vld [tilespmem:s24+$0xC010]  }
0x178: {  	s6 =	simm.s32 $0x20;
	v8 =	vld [tilespmem:s24+$0xA710];
	v0 =	vadd.f32 v3, v0;
	v3 =	vmul.f32 v5, v5  }
0x179: {  	v12 =	vld [tilespmem:s6+$0xC010]  }
0x17a: {  	v13 =	vld [tilespmem:s6+$0xD2D0];
	v2 =	vsub.f32 v2, v4;
	v3 =	vadd.f32 v3, v0  }
0x17b: {  	v4 =	vld [tilespmem:s6+$0xB390];
	v0 =	vsub.f32 v1, v6  }
0x17c: {  	v5 =	vld [tilespmem:s6+$0xA0D0];
	v2 =	vsub.f32 v2, v9;
	v6 =	vsub.f32 v7, v10;
	v9 =	vmax.f32 v3, $0.0e+00  }
0x17d: {  	v1 =	vld [tilespmem:s6+$0xC650];
	v0 =	vsub.f32 v0, v8;
	v10 =	vmul.f32 $5.000000000e-01, v3;
	v9 =	vshra.s32 v9, $0x1  }
0x17e: {  	v7 =	vld [tilespmem:s6+$0xB9D0];
	v2 =	vmul.f32 v2, v2;
	v9 =	vsub.s32 $0x5F3759DF, v9  }
0x17f: {  	v8 =	vld [tilespmem:s6+$0xCC90];
	v6 =	vsub.f32 v6, v11;
	v0 =	vmul.f32 v0, v0;
	v11 =	vmul.f32 v9, v10  }
0x180: {  	v14 =	vld [tilespmem:s6+$0xA710]  }
0x181: {  	s0 =	simm.s32 $0x30;
	v15 =	vld [tilespmem:s6+$0xAD50];
	v0 =	vadd.f32 v0, v2;
	v2 =	vmul.f32 v6, v6;
	v6 =	vmul.f32 v9, v11  }
0x182: {  	v1 =	vsub.f32 v4, v1;
	v4 =	vld [tilespmem:s0+$0xB390]  }
0x183: {  	v11 =	vld [tilespmem:s0+$0xA0D0];
	v0 =	vadd.f32 v2, v0;
	v2 =	vsub.f32 $1.500000000e+00, v6  }
0x184: {  	v1 =	vsub.f32 v1, v5;
	v6 =	vsub.f32 v7, v8;
	v7 =	vld [tilespmem:s0+$0xC650]  }
0x185: {  	v5 =	vsub.f32 v12, v13;
	v8 =	vld [tilespmem:s0+$0xB9D0];
	v12 =	vmax.f32 v0, $0.0e+00;
	v2 =	vmul.f32 v9, v2  }
0x186: {  	v17 =	vmul.f32 $5.000000000e-01, v0;
	v6 =	vsub.f32 v6, v14;
	v9 =	vld [tilespmem:s0+$0xCC90];
	v12 =	vshra.s32 v12, $0x1  }
0x187: {  	v13 =	vld [tilespmem:s0+$0xC010];
	v1 =	vmul.f32 v1, v1;
	v12 =	vsub.s32 $0x5F3759DF, v12;
	v10 =	vmul.f32 v2, v10  }
0x188: {  	v5 =	vsub.f32 v5, v15;
	v14 =	vld [tilespmem:s0+$0xD2D0];
	v6 =	vmul.f32 v6, v6;
	v15 =	vmul.f32 v12, v17  }
0x189: {  	v18 =	vld [tilespmem:s0+$0xA710];
	v16 =	vsub.f32 v4, v7;
	v7 =	vmul.f32 v10, v2  }
0x18a: {  	s14 =	simm.s32 $0x40;
	v5 =	vmul.f32 v5, v5;
	v4 =	vld [tilespmem:s0+$0xAD50];
	v1 =	vadd.f32 v6, v1;
	v10 =	vmul.f32 v12, v15  }
0x18b: {  	v6 =	vld [tilespmem:s14+$0xA0D0];
	v9 =	vsub.f32 v8, v9;
	v8 =	vsub.f32 $1.500000000e+00, v7  }
0x18c: {  	v7 =	vld [tilespmem:s14+$0xB390];
	v1 =	vadd.f32 v5, v1;
	v5 =	vsub.f32 $1.500000000e+00, v10  }
0x18d: {  	v15 =	vsub.f32 v16, v11;
	v13 =	vsub.f32 v13, v14;
	v10 =	vld [tilespmem:s14+$0xC650];
	v16 =	vmul.f32 v8, v2  }
0x18e: {  	v11 =	vld [tilespmem:s14+$0xCC90];
	v14 =	vsub.f32 v9, v18;
	v9 =	vmax.f32 v1, $0.0e+00;
	v2 =	vmul.f32 v12, v5  }
0x18f: {  	v8 =	vld [tilespmem:s14+$0xB9D0];
	v5 =	vmul.f32 $5.000000000e-01, v1;
	v9 =	vshra.s32 v9, $0x1;
	v16 =	vmul.f32 v16, v3  }
0x190: {  	s15 =	simm.s32 $0x140;
	v15 =	vmul.f32 v15, v15;
	v12 =	vld [tilespmem:s14+$0xC010];
	v3 =	vsub.s32 $0x5F3759DF, v9;
	v9 =	vmul.f32 v2, v17  }
.LBB2_11:
0x191: {  	p1 =	sne.s32 s15, $0x18C0;
	v17 =	vld [tilespmem:s14+$0xD2D0];
	v13 =	vsub.f32 v13, v4;
	v14 =	vmul.f32 v14, v14;
	v18 =	vmul.f32 v3, v5;
	[tilespmem:s13+$0xD910] =	vst v16;
	s13 =	smov.u32 s24;
	s24 =	smov.u32 s6  }
0x192: {  	s6 =	smov.u32 s0;
	s0 =	smov.u32 s14;
	v16 =	vsub.f32 v7, v10;
	v19 =	vld [tilespmem:s14+$0xA710];
	v7 =	vmul.f32 v9, v2;
	v9 =	vmov v5  }
0x193: {  	s14 =	sshra.s32 s15, $0x2;
	v4 =	vld [tilespmem:s0+$0xAD50];
	v5 =	vadd.f32 v14, v15;
	v10 =	vmul.f32 v13, v13;
	v13 =	vmul.f32 v3, v18  }
0x194: {  	v18 =	vld [tilespmem:s14+$0xA0D0];
	v11 =	vsub.f32 v8, v11;
	v8 =	vsub.f32 $1.500000000e+00, v7  }
.Ltmp4:
0x195: {  	v7 =	vld [tilespmem:s14+$0xB390];
	v15 =	vadd.f32 v10, v5;
	v5 =	vsub.f32 $1.500000000e+00, v13;
	(pc) =	sbr.rel @p1 .LBB2_11-.Ltmp4, $4  }
0x196: {  	v20 =	vsub.f32 v16, v6;
	v10 =	vld [tilespmem:s14+$0xC650];
	v13 =	vsub.f32 v12, v17;
	v12 =	vmul.f32 v8, v2  }
0x197: {  	v8 =	vld [tilespmem:s14+$0xB9D0];
	v14 =	vsub.f32 v11, v19;
	v16 =	vmax.f32 v15, $0.0e+00;
	v2 =	vmul.f32 v3, v5  }
0x198: {  	v5 =	vmul.f32 $5.000000000e-01, v15;
	v11 =	vld [tilespmem:s14+$0xCC90];
	v3 =	vshra.s32 v16, $0x1;
	v16 =	vmul.f32 v12, v0;
	v0 =	vmovc v1;
	v1 =	vmovc v15  }
0x199: {  	s15 =	sadd.s32 $0x40, s15;
	v15 =	vmul.f32 v20, v20;
	v12 =	vld [tilespmem:s14+$0xC010];
	v3 =	vsub.s32 $0x5F3759DF, v3;
	v9 =	vmul.f32 v2, v9;
	v6 =	vmovc v18  }
0x19a: {  	v17 =	vld [tilespmem:s14+$0xD2D0];
	[tilespmem:s13+$0xD910] =	vst v16  }
0x19b: {  	v16 =	vld [tilespmem:s14+$0xA710];
	_ =	sdelay $0x1  }
0x19c: {  	v7 =	vsub.f32 v7, v10;
	v44 =	vld [tilespmem:s14+$0xAD50]  }
0x19d: {  	v8 =	vsub.f32 v8, v11  }
0x19e: {  	v6 =	vsub.f32 v7, v6  }
0x19f: {  	v45 =	vsub.f32 v12, v17;
	v8 =	vsub.f32 v8, v16  }
0x1a0: {  	v4 =	vsub.f32 v13, v4;
	v46 =	vmul.f32 v14, v14  }
0x1a1: {  	v6 =	vmul.f32 v6, v6;
	v7 =	vsub.f32 v45, v44;
	v8 =	vmul.f32 v8, v8  }
0x1a2: {  	v47 =	vadd.f32 v46, v15;
	v4 =	vmul.f32 v4, v4  }
0x1a3: {  	v7 =	vmul.f32 v7, v7;
	v6 =	vadd.f32 v8, v6  }
0x1a4: {  	v4 =	vadd.f32 v4, v47  }
0x1a5: {  	v6 =	vadd.f32 v7, v6  }
0x1a6: {  	v48 =	vmul.f32 v3, v5;
	v49 =	vmax.f32 v4, $0.0e+00  }
0x1a7: {  	v10 =	vmul.f32 $5.000000000e-01, v4;
	v8 =	vshra.s32 v49, $0x1;
	v50 =	vmax.f32 v6, $0.0e+00  }
0x1a8: {  	v8 =	vsub.s32 $0x5F3759DF, v8;
	v51 =	vmul.f32 $5.000000000e-01, v6;
	v11 =	vshra.s32 v50, $0x1  }
0x1a9: {  	v52 =	vmul.f32 v8, v10;
	v11 =	vsub.s32 $0x5F3759DF, v11  }
0x1aa: {  	v7 =	vmul.f32 v3, v48;
	v53 =	vmul.f32 v11, v51  }
0x1ab: {  	v13 =	vmul.f32 v8, v52  }
0x1ac: {  	v7 =	vsub.f32 $1.500000000e+00, v7;
	v14 =	vmul.f32 v11, v53  }
0x1ad: {  	v13 =	vsub.f32 $1.500000000e+00, v13  }
0x1ae: {  	v54 =	vmul.f32 v3, v7;
	v55 =	vsub.f32 $1.500000000e+00, v14  }
0x1af: {  	v8 =	vmul.f32 v8, v13  }
0x1b0: {  	v56 =	vmul.f32 v54, v5;
	v7 =	vmul.f32 v11, v55  }
0x1b1: {  	v9 =	vmul.f32 v9, v2;
	v10 =	vmul.f32 v8, v10  }
0x1b2: {  	v5 =	vmul.f32 v56, v54;
	v11 =	vmul.f32 v7, v51  }
0x1b3: {  	v9 =	vsub.f32 $1.500000000e+00, v9;
	v10 =	vmul.f32 v10, v8  }
0x1b4: {  	v5 =	vsub.f32 $1.500000000e+00, v5;
	v11 =	vmul.f32 v11, v7  }
0x1b5: {  	v57 =	vmul.f32 v9, v2;
	v58 =	vsub.f32 $1.500000000e+00, v10  }
0x1b6: {  	v3 =	vmul.f32 v5, v54;
	v59 =	vsub.f32 $1.500000000e+00, v11  }
0x1b7: {  	v0 =	vmul.f32 v57, v0;
	v60 =	vmul.f32 v58, v8  }
0x1b8: {  	p1 =	seq.s32 s22, $0x3D;
	v1 =	vmul.f32 v3, v1;
	v61 =	vmul.f32 v59, v7  }
.Ltmp5:
0x1b9: {  	[tilespmem:s24+$0xD910] =	vst v0;
	v62 =	vmul.f32 v60, v4;
	(pc) =	sbr.rel @p1 .LBB2_14-.Ltmp5, $4  }
0x1ba: {  	s15 =	sadd.s32 s23, s16;
	[tilespmem:s6+$0xD910] =	vst v1;
	v63 =	vmul.f32 v61, v6  }
0x1bb: {  	s17 =	sshrl.u32 s15, $0x3;
	[tilespmem:s0+$0xD910] =	vst v62  }
0x1bc: {  	s24 =	simm.s32 $0xD910;
	s0 =	sadd.s32 s3, s17;
	[tilespmem:s14+$0xD910] =	vst v63  }
0x1bd: {  	[hbm4b:s0+s8] =	stream.linear.scatter [tilespmem:s24], [sflag:$0x6], $0x640, $0x38;
	[tilespmem:$0xDF50] =	vst v63  }
0x1be: {  	s0 =	sadd.s32 s23, s30  }
0x1bf: {  	s0 =	sshrl.u32 s0, $0x3  }
0x1c0: {  	s13 =	simm.s32 $0x9450;
	s6 =	sadd.s32 s1, s0  }
0x1c1: {  	[tilespmem:s13], [sflag:$0x4] =	stream.linear.gather [hbm4b:s6+s8], $0x640, $0x38;
	[tilespmem:$0xDF50] =	vst v63  }
0x1c2: {  	s24 =	simm.s32 $0x9A90;
	s23 =	sadd.s32 s2, s0  }
0x1c3: {  	[tilespmem:s24], [sflag:$0x4] =	stream.linear.gather [hbm4b:s23+s8], $0x640, $0x38;
	[tilespmem:$0xDF50] =	vst v63  }
0x1c4: {  	s15 =	simm.s32 $0xA0D0;
	s14 =	sadd.s32 s10, s0  }
0x1c5: {  	[tilespmem:s15], [sflag:$0x4] =	stream.linear.gather [hbm4b:s14+s8], $0x640, $0x38;
	[tilespmem:$0xDF50] =	vst v63  }
.Ltmp6:
0x1c6: {  	_ = 	snop;
	(pc) =	sbr.rel .LBB2_4-.Ltmp6, $4  }
0x1c7: {  	s17 =	sadd.s32 s11, s0;
	s23 =	simm.s32 $0xA710  }
0x1c8: {  	[tilespmem:s23], [sflag:$0x4] =	stream.linear.gather [hbm4b:s17+s8], $0x640, $0x38;
	[tilespmem:$0xDF50] =	vst v63  }
0x1c9: {  	s22 =	sadd.s32 $0x1, s22;
	s0 =	sadd.s32 s12, s0;
	s24 =	simm.s32 $0xAD50  }
0x1ca: {  	[tilespmem:s24], [sflag:$0x4] =	stream.linear.gather [hbm4b:s0+s8], $0x640, $0x38;
	[tilespmem:$0xDF50] =	vst v63  }
.LBB2_14:
0x1cb: {  	_ =	swait.ge [sflag:s25], $0x640  }
0x1cc: {  	[sflag:s25] =	ssyncset.done $0x0  }
0x1cd: {  	[sflag:s25] =	ssyncadd.s32 $0xFFFFF9C0  }
0x1ce: {  	_ =	swait.ge [sflag:s25], $0x640  }
0x1cf: {  	[sflag:s25] =	ssyncset.done $0x0  }
0x1d0: {  	[sflag:s25] =	ssyncadd.s32 $0xFFFFF9C0  }
0x1d1: {  	_ =	swait.ge [sflag:s25], $0x640  }
0x1d2: {  	[sflag:s25] =	ssyncset.done $0x0  }
0x1d3: {  	[sflag:s25] =	ssyncadd.s32 $0xFFFFF9C0  }
0x1d4: {  	_ =	swait.ge [sflag:s25], $0x640  }
0x1d5: {  	[sflag:s25] =	ssyncset.done $0x0  }
0x1d6: {  	[sflag:s25] =	ssyncadd.s32 $0xFFFFF9C0  }
0x1d7: {  	_ =	swait.ge [sflag:s25], $0x640  }
0x1d8: {  	[sflag:s25] =	ssyncset.done $0x0  }
0x1d9: {  	[sflag:s25] =	ssyncadd.s32 $0xFFFFF9C0  }
0x1da: {  	_ =	swait.ge [sflag:s25], $0x640  }
0x1db: {  	[sflag:s25] =	ssyncset.done $0x0  }
0x1dc: {  	[sflag:s25] =	ssyncadd.s32 $0xFFFFF9C0  }
0x1dd: {  	_ =	swait.ge [sflag:s28], $0x640  }
0x1de: {  	[sflag:s28] =	ssyncset.done $0x0  }
0x1df: {  	s13 =	simm.s32 $0x0;
	[sflag:s28] =	ssyncadd.s32 $0xFFFFF9C0  }
0x1e0: {  	v0 =	vld [tilespmem:s13+$0x55D0]  }
0x1e1: {  	v1 =	vld [tilespmem:s13+$0x6890]  }
0x1e2: {  	v2 =	vld [tilespmem:s13+$0x7B50]  }
0x1e3: {  	v3 =	vld [tilespmem:s13+$0x6ED0]  }
0x1e4: {  	v4 =	vld [tilespmem:s13+$0x8190]  }
0x1e5: {  	v5 =	vld [tilespmem:s13+$0x7510]  }
0x1e6: {  	v6 =	vld [tilespmem:s13+$0x87D0]  }
0x1e7: {  	v7 =	vld [tilespmem:s13+$0x5C10]  }
0x1e8: {  	s22 =	simm.s32 $0x10;
	v8 =	vld [tilespmem:s13+$0x6250]  }
0x1e9: {  	v9 =	vld [tilespmem:s22+$0x55D0]  }
0x1ea: {  	v10 =	vld [tilespmem:s22+$0x87D0]  }
0x1eb: {  	v11 =	vld [tilespmem:s22+$0x6250];
	v1 =	vsub.f32 v1, v2;
	v3 =	vsub.f32 v3, v4  }
0x1ec: {  	v2 =	vld [tilespmem:s22+$0x6890];
	v5 =	vsub.f32 v5, v6  }
0x1ed: {  	v4 =	vld [tilespmem:s22+$0x7B50];
	v0 =	vsub.f32 v1, v0;
	v3 =	vsub.f32 v3, v7  }
0x1ee: {  	v6 =	vld [tilespmem:s22+$0x8190]  }
0x1ef: {  	v1 =	vld [tilespmem:s22+$0x6ED0];
	v5 =	vsub.f32 v5, v8;
	v0 =	vmul.f32 v0, v0;
	v3 =	vmul.f32 v3, v3  }
0x1f0: {  	v7 =	vld [tilespmem:s22+$0x7510]  }
0x1f1: {  	s6 =	simm.s32 $0x20;
	v8 =	vld [tilespmem:s22+$0x5C10];
	v0 =	vadd.f32 v3, v0;
	v3 =	vmul.f32 v5, v5  }
0x1f2: {  	v12 =	vld [tilespmem:s6+$0x7510]  }
0x1f3: {  	v13 =	vld [tilespmem:s6+$0x87D0];
	v2 =	vsub.f32 v2, v4;
	v3 =	vadd.f32 v3, v0  }
0x1f4: {  	v4 =	vld [tilespmem:s6+$0x6890];
	v0 =	vsub.f32 v1, v6  }
0x1f5: {  	v5 =	vld [tilespmem:s6+$0x55D0];
	v2 =	vsub.f32 v2, v9;
	v6 =	vsub.f32 v7, v10;
	v9 =	vmax.f32 v3, $0.0e+00  }
0x1f6: {  	v1 =	vld [tilespmem:s6+$0x7B50];
	v0 =	vsub.f32 v0, v8;
	v10 =	vmul.f32 $5.000000000e-01, v3;
	v9 =	vshra.s32 v9, $0x1  }
0x1f7: {  	v7 =	vld [tilespmem:s6+$0x6ED0];
	v2 =	vmul.f32 v2, v2;
	v9 =	vsub.s32 $0x5F3759DF, v9  }
0x1f8: {  	v8 =	vld [tilespmem:s6+$0x8190];
	v6 =	vsub.f32 v6, v11;
	v0 =	vmul.f32 v0, v0;
	v11 =	vmul.f32 v9, v10  }
0x1f9: {  	v14 =	vld [tilespmem:s6+$0x5C10]  }
0x1fa: {  	s0 =	simm.s32 $0x30;
	v15 =	vld [tilespmem:s6+$0x6250];
	v0 =	vadd.f32 v0, v2;
	v2 =	vmul.f32 v6, v6;
	v6 =	vmul.f32 v9, v11  }
0x1fb: {  	v1 =	vsub.f32 v4, v1;
	v4 =	vld [tilespmem:s0+$0x6890]  }
0x1fc: {  	v11 =	vld [tilespmem:s0+$0x55D0];
	v0 =	vadd.f32 v2, v0;
	v2 =	vsub.f32 $1.500000000e+00, v6  }
0x1fd: {  	v1 =	vsub.f32 v1, v5;
	v6 =	vsub.f32 v7, v8;
	v7 =	vld [tilespmem:s0+$0x7B50]  }
0x1fe: {  	v5 =	vsub.f32 v12, v13;
	v8 =	vld [tilespmem:s0+$0x6ED0];
	v12 =	vmax.f32 v0, $0.0e+00;
	v2 =	vmul.f32 v9, v2  }
0x1ff: {  	v17 =	vmul.f32 $5.000000000e-01, v0;
	v6 =	vsub.f32 v6, v14;
	v9 =	vld [tilespmem:s0+$0x8190];
	v12 =	vshra.s32 v12, $0x1  }
0x200: {  	v13 =	vld [tilespmem:s0+$0x7510];
	v1 =	vmul.f32 v1, v1;
	v12 =	vsub.s32 $0x5F3759DF, v12;
	v10 =	vmul.f32 v2, v10  }
0x201: {  	v5 =	vsub.f32 v5, v15;
	v14 =	vld [tilespmem:s0+$0x87D0];
	v6 =	vmul.f32 v6, v6;
	v15 =	vmul.f32 v12, v17  }
0x202: {  	v18 =	vld [tilespmem:s0+$0x5C10];
	v16 =	vsub.f32 v4, v7;
	v7 =	vmul.f32 v10, v2  }
0x203: {  	s14 =	simm.s32 $0x40;
	v5 =	vmul.f32 v5, v5;
	v4 =	vld [tilespmem:s0+$0x6250];
	v1 =	vadd.f32 v6, v1;
	v10 =	vmul.f32 v12, v15  }
0x204: {  	v6 =	vld [tilespmem:s14+$0x55D0];
	v9 =	vsub.f32 v8, v9;
	v8 =	vsub.f32 $1.500000000e+00, v7  }
0x205: {  	v7 =	vld [tilespmem:s14+$0x6890];
	v1 =	vadd.f32 v5, v1;
	v5 =	vsub.f32 $1.500000000e+00, v10  }
0x206: {  	v15 =	vsub.f32 v16, v11;
	v13 =	vsub.f32 v13, v14;
	v10 =	vld [tilespmem:s14+$0x7B50];
	v16 =	vmul.f32 v8, v2  }
0x207: {  	v11 =	vld [tilespmem:s14+$0x8190];
	v14 =	vsub.f32 v9, v18;
	v9 =	vmax.f32 v1, $0.0e+00;
	v2 =	vmul.f32 v12, v5  }
0x208: {  	v8 =	vld [tilespmem:s14+$0x6ED0];
	v5 =	vmul.f32 $5.000000000e-01, v1;
	v9 =	vshra.s32 v9, $0x1;
	v16 =	vmul.f32 v16, v3  }
0x209: {  	s15 =	simm.s32 $0x140;
	v15 =	vmul.f32 v15, v15;
	v12 =	vld [tilespmem:s14+$0x7510];
	v3 =	vsub.s32 $0x5F3759DF, v9;
	v9 =	vmul.f32 v2, v17  }
.LBB2_15:
0x20a: {  	p1 =	sne.s32 s15, $0x18C0;
	v17 =	vld [tilespmem:s14+$0x87D0];
	v13 =	vsub.f32 v13, v4;
	v14 =	vmul.f32 v14, v14;
	v18 =	vmul.f32 v3, v5;
	[tilespmem:s13+$0x8E10] =	vst v16;
	s13 =	smov.u32 s22;
	s22 =	smov.u32 s6  }
0x20b: {  	s6 =	smov.u32 s0;
	s0 =	smov.u32 s14;
	v16 =	vsub.f32 v7, v10;
	v19 =	vld [tilespmem:s14+$0x5C10];
	v7 =	vmul.f32 v9, v2;
	v9 =	vmov v5  }
0x20c: {  	s14 =	sshra.s32 s15, $0x2;
	v4 =	vld [tilespmem:s0+$0x6250];
	v5 =	vadd.f32 v14, v15;
	v10 =	vmul.f32 v13, v13;
	v13 =	vmul.f32 v3, v18  }
0x20d: {  	v18 =	vld [tilespmem:s14+$0x55D0];
	v11 =	vsub.f32 v8, v11;
	v8 =	vsub.f32 $1.500000000e+00, v7  }
.Ltmp7:
0x20e: {  	v7 =	vld [tilespmem:s14+$0x6890];
	v15 =	vadd.f32 v10, v5;
	v5 =	vsub.f32 $1.500000000e+00, v13;
	(pc) =	sbr.rel @p1 .LBB2_15-.Ltmp7, $4  }
0x20f: {  	v20 =	vsub.f32 v16, v6;
	v10 =	vld [tilespmem:s14+$0x7B50];
	v13 =	vsub.f32 v12, v17;
	v12 =	vmul.f32 v8, v2  }
0x210: {  	v8 =	vld [tilespmem:s14+$0x6ED0];
	v14 =	vsub.f32 v11, v19;
	v16 =	vmax.f32 v15, $0.0e+00;
	v2 =	vmul.f32 v3, v5  }
0x211: {  	v5 =	vmul.f32 $5.000000000e-01, v15;
	v11 =	vld [tilespmem:s14+$0x8190];
	v3 =	vshra.s32 v16, $0x1;
	v16 =	vmul.f32 v12, v0;
	v0 =	vmovc v1;
	v1 =	vmovc v15  }
0x212: {  	s15 =	sadd.s32 $0x40, s15;
	v15 =	vmul.f32 v20, v20;
	v12 =	vld [tilespmem:s14+$0x7510];
	v3 =	vsub.s32 $0x5F3759DF, v3;
	v9 =	vmul.f32 v2, v9;
	v6 =	vmovc v18  }
0x213: {  	v17 =	vld [tilespmem:s14+$0x87D0];
	[tilespmem:s13+$0x8E10] =	vst v16  }
0x214: {  	v16 =	vld [tilespmem:s14+$0x5C10];
	_ =	sdelay $0x1  }
0x215: {  	v7 =	vsub.f32 v7, v10;
	v44 =	vld [tilespmem:s14+$0x6250]  }
0x216: {  	v8 =	vsub.f32 v8, v11  }
0x217: {  	v6 =	vsub.f32 v7, v6  }
0x218: {  	v45 =	vsub.f32 v12, v17;
	v8 =	vsub.f32 v8, v16  }
0x219: {  	v4 =	vsub.f32 v13, v4;
	v46 =	vmul.f32 v14, v14  }
0x21a: {  	v6 =	vmul.f32 v6, v6;
	v7 =	vsub.f32 v45, v44;
	v8 =	vmul.f32 v8, v8  }
0x21b: {  	v47 =	vadd.f32 v46, v15;
	v4 =	vmul.f32 v4, v4  }
0x21c: {  	v7 =	vmul.f32 v7, v7;
	v6 =	vadd.f32 v8, v6  }
0x21d: {  	v4 =	vadd.f32 v4, v47  }
0x21e: {  	v6 =	vadd.f32 v7, v6  }
0x21f: {  	v48 =	vmul.f32 v3, v5;
	v49 =	vmax.f32 v4, $0.0e+00  }
0x220: {  	v10 =	vmul.f32 $5.000000000e-01, v4;
	v8 =	vshra.s32 v49, $0x1;
	v50 =	vmax.f32 v6, $0.0e+00  }
0x221: {  	v8 =	vsub.s32 $0x5F3759DF, v8;
	v51 =	vmul.f32 $5.000000000e-01, v6;
	v11 =	vshra.s32 v50, $0x1  }
0x222: {  	v52 =	vmul.f32 v8, v10;
	v11 =	vsub.s32 $0x5F3759DF, v11  }
0x223: {  	v7 =	vmul.f32 v3, v48;
	v53 =	vmul.f32 v11, v51  }
0x224: {  	v13 =	vmul.f32 v8, v52  }
0x225: {  	v7 =	vsub.f32 $1.500000000e+00, v7;
	v14 =	vmul.f32 v11, v53  }
0x226: {  	v13 =	vsub.f32 $1.500000000e+00, v13  }
0x227: {  	v54 =	vmul.f32 v3, v7;
	v55 =	vsub.f32 $1.500000000e+00, v14  }
0x228: {  	v8 =	vmul.f32 v8, v13  }
0x229: {  	v56 =	vmul.f32 v54, v5;
	v7 =	vmul.f32 v11, v55  }
0x22a: {  	v9 =	vmul.f32 v9, v2;
	v10 =	vmul.f32 v8, v10  }
0x22b: {  	v5 =	vmul.f32 v56, v54;
	v11 =	vmul.f32 v7, v51  }
0x22c: {  	v9 =	vsub.f32 $1.500000000e+00, v9;
	v10 =	vmul.f32 v10, v8  }
0x22d: {  	v5 =	vsub.f32 $1.500000000e+00, v5;
	v11 =	vmul.f32 v11, v7  }
0x22e: {  	v57 =	vmul.f32 v9, v2;
	v58 =	vsub.f32 $1.500000000e+00, v10  }
0x22f: {  	v3 =	vmul.f32 v5, v54;
	v59 =	vsub.f32 $1.500000000e+00, v11  }
0x230: {  	v0 =	vmul.f32 v57, v0;
	v60 =	vmul.f32 v58, v8  }
0x231: {  	v1 =	vmul.f32 v3, v1;
	v61 =	vmul.f32 v59, v7  }
0x232: {  	[tilespmem:s22+$0x8E10] =	vst v0;
	v62 =	vmul.f32 v60, v4  }
0x233: {  	[tilespmem:s6+$0x8E10] =	vst v1;
	v63 =	vmul.f32 v61, v6  }
0x234: {  	[tilespmem:s0+$0x8E10] =	vst v62  }
0x235: {  	s22 =	rddreg [dreg:$0x12];
	[tilespmem:s14+$0x8E10] =	vst v63  }
0x236: {  	[hbm4b:s22+s8] =	stream.linear.scatter [tilespmem:s31], [sflag:$0x3], $0x640, $0x38;
	[tilespmem:$0xDF50] =	vst v63  }
0x237: {  	_ =	swait.ge [sflag:s28], $0x640  }
0x238: {  	[sflag:s28] =	ssyncset.done $0x0  }
0x239: {  	[sflag:s28] =	ssyncadd.s32 $0xFFFFF9C0  }
0x23a: {  	_ =	swait.ge [sflag:s21], $0x640  }
0x23b: {  	s23 =	rddreg [dreg:$0x16]  }
0x23c: {  	s24 =	rddreg [dreg:$0x13];
	s6 =	sadd.s32 $0x1, s23  }
0x23d: {  	p1 =	sne.s32 s6, s24  }
.Ltmp8:
0x23e: {  	_ = 	snop;
	(pc) =	sbr.rel @p1 .LBB2_1-.Ltmp8, $3  }
0x23f: {  	_ =	sdelay $0x1  }
0x240: {  	[sflag:s21] =	ssyncset.done $0x0  }
0x241: {  	[sflag:s21] =	ssyncadd.s32 $0xFFFFF9C0  }
0x242: {  	_ =	sfence.sel $0x180000  }
0x243: {  	[bflag:$0x0] =	sbarrier.arrive $0xFFFF  }
0x244: {  	_ =	strace $0x90000047  }
0x245: {  	[bflag:$0x2] =	sbarrier.arrive $0xFFFF  }
0x246: {  	s0 =	rddreg [dreg:$0x7]  }
0x247: {  	s0 =	sadd.s32 @!p0 $0x100000, s0  }
0x248: {  	[sflag:s0] =	ssyncadd.tile.s32 @!p0 $0x1;
	_ =	shalt  }
.Lfunc_end2:
_tile_overlayer_lowered:
.L_overlay_start_2:
0x249: {  	(tag) =	ssettag $0x2  }
0x24a: {  	s0 =	rddreg [dreg:$0x0];
	s2 =	stileid.u32  }
0x24b: {  	s1 =	rddreg [dreg:$0x1];
	p0 =	sne.s32 s2, $0x0  }
0x24c: {  	s3 =	rddreg [dreg:$0x2];
	[bflag:$0x3] =	sbarrier.arrive $0xFFFF;
	s2 =	simm.s32 @!p0 $0x1C07  }
0x24d: {  	[timem:s3], [sflag:s2] =	dma.local @!p0 [hbm:s0], s1  }
0x24e: {  	s0 =	simm.s32 @!p0 $0x7  }
0x24f: {  	_ =	swait.ge @!p0 [sflag:s0], s1  }
0x250: {  	s1 =	ssub.s32 @!p0 $0x0, s1;
	[sflag:s0] =	ssyncset.done @!p0 $0x0  }
0x251: {  	[sflag:s0] =	ssyncadd.s32 @!p0 s1  }
0x252: {  	[bflag:$0x3] =	sbarrier.arrive $0xFFFF  }
0x253: {  	_ =	shalt  }

</sc_bundles>
